<compile_context>
chip_gen: v7x
topology: tpu7x:2x2x1
jax: 0.10.2.dev20260603
libtpu: 0.0.44.dev20260713+nightly
codegen_flags: <defaults>
</compile_context>

<pallas_src>
import jax
import jax.numpy as jnp
from jax import lax
from jax.experimental import pallas as pl
from jax.experimental.pallas import tpu as pltpu
from jax.experimental.pallas import tpu_sc as plsc

VOCAB = 1000000
DIM = 64
B = 16384
CTX = 10
NEG = 5
TN = NEG + 1
W = 128
V2 = VOCAB // 2

NC = 2
NS = 16
NW = NC * NS
BPW = B // NW
C = 16
NCHUNK = BPW // C
NPAIR = NCHUNK // 2
CC = C * CTX
CT = C * TN


def _tree_sum(vals):
    while len(vals) > 1:
        nxt = [vals[i] + vals[i + 1] for i in range(0, len(vals) - 1, 2)]
        if len(vals) % 2:
            nxt.append(vals[-1])
        vals = nxt
    return vals[0]


def _sc_body(ctx_row_hbm, ctx_par_hbm, tn_row_hbm, tn_par_hbm,
             ctx_tab_hbm, tgt_tab_hbm,
             out_pos_hbm, out_neg_hbm,
             ctx_row_v, ctx_par_v, tn_row_v, tn_par_v,
             ctx_a, ctx_b, tn_a, tn_b, pos_v, neg_v, sem_a, sem_b):
    wid = lax.axis_index("s") * NC + lax.axis_index("c")
    base = wid * BPW

    pltpu.sync_copy(ctx_row_hbm.at[pl.ds(base * CTX, BPW * CTX)], ctx_row_v)
    pltpu.sync_copy(ctx_par_hbm.at[pl.ds(base * CTX, BPW * CTX)], ctx_par_v)
    pltpu.sync_copy(tn_row_hbm.at[pl.ds(base * TN, BPW * TN)], tn_row_v)
    pltpu.sync_copy(tn_par_hbm.at[pl.ds(base * TN, BPW * TN)], tn_par_v)

    iota16 = lax.iota(jnp.int32, 16)

    def fire(it, ctx_buf, tn_buf, sem):
        pltpu.async_copy(
            ctx_tab_hbm.at[ctx_row_v.at[pl.ds(it * CC, 128)]],
            ctx_buf.at[pl.ds(0, 128)], sem)
        pltpu.async_copy(
            ctx_tab_hbm.at[ctx_row_v.at[pl.ds(it * CC + 128, CC - 128)]],
            ctx_buf.at[pl.ds(128, CC - 128)], sem)
        pltpu.async_copy(
            tgt_tab_hbm.at[tn_row_v.at[pl.ds(it * CT, CT)]], tn_buf, sem)

    def wait(ctx_buf, tn_buf, sem):
        pltpu.make_async_copy(ctx_tab_hbm.at[pl.ds(0, CC)], ctx_buf,
                              sem).wait()
        pltpu.make_async_copy(tgt_tab_hbm.at[pl.ds(0, CT)], tn_buf,
                              sem).wait()

    def compute(it, ctx_buf, tn_buf):
        e = iota16
        ctx_r = [e * CTX + j for j in range(CTX)]
        ctx_p = [plsc.load_gather(ctx_par_v, [e * CTX + (it * CC + j)])
                 for j in range(CTX)]
        tn_r = [e * TN + k for k in range(TN)]
        tn_p = [plsc.load_gather(tn_par_v, [e * TN + (it * CT + k)])
                for k in range(TN)]

        zero = jnp.zeros((16,), jnp.float32)

        @plsc.parallel_loop(0, DIM, carry=(zero, (zero,) * NEG), unroll=4)
        def d_loop(d, carry):
            pos, negs = carry
            col = (jnp.full((16,), d, jnp.int32) + iota16) & (DIM - 1)
            m = _tree_sum([plsc.load_gather(ctx_buf, [ctx_r[j],
                                                      ctx_p[j] + col])
                           for j in range(CTX)]) * (1.0 / CTX)
            t = plsc.load_gather(tn_buf, [tn_r[0], tn_p[0] + col])
            pos = pos + t * m
            negs = tuple(
                negs[k] + plsc.load_gather(
                    tn_buf, [tn_r[k + 1], tn_p[k + 1] + col]) * m
                for k in range(NEG))
            return pos, negs

        pos, negs = d_loop
        plsc.store_scatter(pos_v, [it * C + iota16], pos)
        for k in range(NEG):
            plsc.store_scatter(neg_v, [k * BPW + it * C + iota16], negs[k])

    fire(0, ctx_a, tn_a, sem_a)

    def pair_body(i, carry):
        it0 = 2 * i
        fire(it0 + 1, ctx_b, tn_b, sem_b)
        wait(ctx_a, tn_a, sem_a)
        compute(it0, ctx_a, tn_a)

        @pl.when(i < NPAIR - 1)
        def _():
            fire(it0 + 2, ctx_a, tn_a, sem_a)

        wait(ctx_b, tn_b, sem_b)
        compute(it0 + 1, ctx_b, tn_b)
        return carry

    lax.fori_loop(0, NPAIR, pair_body, 0)

    pltpu.sync_copy(pos_v, out_pos_hbm.at[pl.ds(base, BPW)])
    for k in range(NEG):
        pltpu.sync_copy(neg_v.at[pl.ds(k * BPW, BPW)],
                        out_neg_hbm.at[pl.ds(k * B + base, BPW)])


def _sc_scores(ctx_row, ctx_par, tn_row, tn_par, ctx_tab2, tgt_tab2):
    mesh = plsc.VectorSubcoreMesh(core_axis_name="c", subcore_axis_name="s")
    return pl.kernel(
        _sc_body,
        out_type=(jax.ShapeDtypeStruct((B,), jnp.float32),
                  jax.ShapeDtypeStruct((NEG * B,), jnp.float32)),
        mesh=mesh,
        compiler_params=pltpu.CompilerParams(needs_layout_passes=False),
        scratch_types=[
            pltpu.VMEM((BPW * CTX,), jnp.int32),
            pltpu.VMEM((BPW * CTX,), jnp.int32),
            pltpu.VMEM((BPW * TN,), jnp.int32),
            pltpu.VMEM((BPW * TN,), jnp.int32),
            pltpu.VMEM((CC, W), jnp.float32),
            pltpu.VMEM((CC, W), jnp.float32),
            pltpu.VMEM((CT, W), jnp.float32),
            pltpu.VMEM((CT, W), jnp.float32),
            pltpu.VMEM((BPW,), jnp.float32),
            pltpu.VMEM((NEG * BPW,), jnp.float32),
            pltpu.SemaphoreType.DMA,
            pltpu.SemaphoreType.DMA,
        ],
    )(ctx_row, ctx_par, tn_row, tn_par, ctx_tab2, tgt_tab2)


def _loss_body(pos_ref, neg_ref, out_ref):
    s = jnp.sum(jax.nn.log_sigmoid(pos_ref[...]))
    s = s + jnp.sum(jax.nn.log_sigmoid(-neg_ref[...]))
    out_ref[0, 0] = -s / B


def _tc_loss(pos2d, neg2d):
    return pl.pallas_call(
        _loss_body,
        out_shape=jax.ShapeDtypeStruct((1, 1), jnp.float32),
        out_specs=pl.BlockSpec(memory_space=pltpu.SMEM),
    )(pos2d, neg2d)


def kernel(context_indices, target_indices, negative_indices, context_table,
           target_table):
    ctx_idx = context_indices.astype(jnp.int32).reshape(B * CTX)
    tn_idx = jnp.concatenate(
        [target_indices.astype(jnp.int32).reshape(B, 1),
         negative_indices.astype(jnp.int32)], axis=1).reshape(B * TN)
    ctx_row = ctx_idx
    ctx_par = jnp.zeros_like(ctx_idx)
    tn_row = tn_idx
    tn_par = jnp.zeros_like(tn_idx)
    ctx_tab2 = jnp.pad(context_table, ((0, 0), (0, W - DIM)))
    tgt_tab2 = jnp.pad(target_table, ((0, 0), (0, W - DIM)))
    pos, neg = _sc_scores(ctx_row, ctx_par, tn_row, tn_par, ctx_tab2,
                          tgt_tab2)
    loss = _tc_loss(pos.reshape(128, 128), neg.reshape(NEG * 128, 128))
    return loss[0, 0]

# --- scband reference (transcript-rebuilt; emitter-appended) ---
"""Pipeline reference for scband-cbow-16174846836818 (READ-ONLY COPY).

The authoritative reference and input builder live on the scoring server;
editing this copy changes nothing except your own understanding.
"""

import jax, jax.numpy as jnp
import numpy as np

VOCAB = 1000000
DIM = 64
B = 16384
CTX = 10  # window_size * 2
NEG = 5


def setup_inputs(seed: int = 0) -> dict:
    key = jax.random.key(seed)
    k1, k2, k3, k4, k5 = jax.random.split(key, 5)
    init_range = 0.5 / DIM
    return {
        "context_indices": jax.random.randint(k1, (B, CTX), 0, VOCAB, dtype=jnp.int64) if jax.config.jax_enable_x64 else jax.random.randint(k1, (B, CTX), 0, VOCAB),
        "target_indices": jax.random.randint(k2, (B,), 0, VOCAB),
        "negative_indices": jax.random.randint(k3, (B, NEG), 0, VOCAB),
        "context_table": jax.random.uniform(k4, (VOCAB, DIM), dtype=jnp.float32, minval=-init_range, maxval=init_range),
        "target_table": jax.random.uniform(k5, (VOCAB, DIM), dtype=jnp.float32, minval=-init_range, maxval=init_range),
    }


def reference(context_indices, target_indices, negative_indices, context_table, target_table):
    # Embedding lookups (gathers)
    context_embeds = jnp.take(context_table, context_indices, axis=0)   # (B, CTX, D)
    context_mean = jnp.mean(context_embeds, axis=1)                      # (B, D)
    target_embeds = jnp.take(target_table, target_indices, axis=0)      # (B, D)
    negative_embeds = jnp.take(target_table, negative_indices, axis=0)  # (B, NEG, D)
    # Positive score
    out_pos = jnp.sum(target_embeds * context_mean, axis=1)             # (B,)
    loss_pos = jax.nn.log_sigmoid(out_pos)
    # Negative scores: bmm((B,NEG,D), (B,D,1)) -> (B,NEG)
    out_neg = jnp.einsum('bkd,bd->bk', negative_embeds, context_mean)
    loss_neg = jnp.sum(jax.nn.log_sigmoid(-out_neg), axis=1)            # (B,)
    loss = -(loss_pos + loss_neg)
    return jnp.mean(loss)

if __name__ == "__main__":
    import jax
    _d = setup_inputs()
    print(jax.jit(kernel)(*tuple(_d.values())))

</pallas_src>

<mosaic_0001>
#map = affine_map<(d0, d1) -> (0)>
#map1 = affine_map<(d0, d1) -> (0, 0)>
module attributes {stable_mosaic.version = 14 : i64} {
  func.func @_sc_body(%arg0: i32, %arg1: i32, %arg2: memref<163840xi32, #tpu.memory_space<hbm>>, %arg3: memref<163840xi32, #tpu.memory_space<hbm>>, %arg4: memref<98304xi32, #tpu.memory_space<hbm>>, %arg5: memref<98304xi32, #tpu.memory_space<hbm>>, %arg6: memref<1000000x128xf32, #tpu.memory_space<hbm>>, %arg7: memref<1000000x128xf32, #tpu.memory_space<hbm>>, %arg8: memref<16384xf32, #tpu.memory_space<hbm>>, %arg9: memref<81920xf32, #tpu.memory_space<hbm>>, %arg10: memref<5120xi32, #tpu.memory_space<vmem>>, %arg11: memref<5120xi32, #tpu.memory_space<vmem>>, %arg12: memref<3072xi32, #tpu.memory_space<vmem>>, %arg13: memref<3072xi32, #tpu.memory_space<vmem>>, %arg14: memref<160x128xf32, #tpu.memory_space<vmem>>, %arg15: memref<160x128xf32, #tpu.memory_space<vmem>>, %arg16: memref<96x128xf32, #tpu.memory_space<vmem>>, %arg17: memref<96x128xf32, #tpu.memory_space<vmem>>, %arg18: memref<512xf32, #tpu.memory_space<vmem>>, %arg19: memref<2560xf32, #tpu.memory_space<vmem>>, %arg20: memref<!tpu.dma_semaphore, #tpu.memory_space<semaphore_mem>>, %arg21: memref<!tpu.dma_semaphore, #tpu.memory_space<semaphore_mem>>) attributes {dimension_semantics = [#tpu.dimension_semantics<core_parallel>, #tpu.dimension_semantics<subcore_parallel>], iteration_bounds = array<i64: 2, 16>, scalar_prefetch = 0 : i64, scratch_operands = 12 : i64, tpu.core_type = #tpu.core_type<sc_vector_subcore>, window_params = [{transform_indices = #map}, {transform_indices = #map}, {transform_indices = #map}, {transform_indices = #map}, {transform_indices = #map1}, {transform_indices = #map1}, {transform_indices = #map}, {transform_indices = #map}]} {
    %mul3A = arith.constant 2 : i32
    %mul3A_0 = arith.muli %arg1, %mul3A : i32
    %add3A = arith.addi %mul3A_0, %arg0 : i32
    %mul3A_1 = arith.constant 512 : i32
    %mul3A_2 = arith.muli %add3A, %mul3A_1 : i32
    %mul3A_3 = arith.constant 10 : i32
    %mul3A_4 = arith.muli %mul3A_2, %mul3A_3 : i32
    "tpu.region"() ({
      %run_scoped3A = tpu.sem_alloc : memref<!tpu.dma_semaphore, #tpu.memory_space<semaphore_mem>>
      %dma_start3A_46 = tpu.memref_slice %arg2[%mul3A_4] : memref<163840xi32, #tpu.memory_space<hbm>> -> memref<5120xi32, #tpu.memory_space<hbm>>
      %dma_start3A_47 = tpu.memref_slice %arg2[%mul3A_4] : memref<163840xi32, #tpu.memory_space<hbm>> -> memref<5120xi32, #tpu.memory_space<hbm>>
      tpu.enqueue_dma source(%dma_start3A_47 : memref<5120xi32, #tpu.memory_space<hbm>>) target(%arg10 : memref<5120xi32, #tpu.memory_space<vmem>>) target_semaphore(%run_scoped3A : memref<!tpu.dma_semaphore, #tpu.memory_space<semaphore_mem>>)
      %dma_wait3A = tpu.memref_slice %arg2[%mul3A_4] : memref<163840xi32, #tpu.memory_space<hbm>> -> memref<5120xi32, #tpu.memory_space<hbm>>
      %dma_wait3A_48 = tpu.memref_slice %arg2[%mul3A_4] : memref<163840xi32, #tpu.memory_space<hbm>> -> memref<5120xi32, #tpu.memory_space<hbm>>
      tpu.wait_dma2 semaphore(%run_scoped3A : memref<!tpu.dma_semaphore, #tpu.memory_space<semaphore_mem>>) src(%dma_wait3A_48 : memref<5120xi32, #tpu.memory_space<hbm>>) dst(%arg10 : memref<5120xi32, #tpu.memory_space<vmem>>)
      tpu.yield
    }) : () -> ()
    %mul3A_5 = arith.constant 10 : i32
    %mul3A_6 = arith.muli %mul3A_2, %mul3A_5 : i32
    "tpu.region"() ({
      %run_scoped3A = tpu.sem_alloc : memref<!tpu.dma_semaphore, #tpu.memory_space<semaphore_mem>>
      %dma_start3A_46 = tpu.memref_slice %arg3[%mul3A_6] : memref<163840xi32, #tpu.memory_space<hbm>> -> memref<5120xi32, #tpu.memory_space<hbm>>
      %dma_start3A_47 = tpu.memref_slice %arg3[%mul3A_6] : memref<163840xi32, #tpu.memory_space<hbm>> -> memref<5120xi32, #tpu.memory_space<hbm>>
      tpu.enqueue_dma source(%dma_start3A_47 : memref<5120xi32, #tpu.memory_space<hbm>>) target(%arg11 : memref<5120xi32, #tpu.memory_space<vmem>>) target_semaphore(%run_scoped3A : memref<!tpu.dma_semaphore, #tpu.memory_space<semaphore_mem>>)
      %dma_wait3A = tpu.memref_slice %arg3[%mul3A_6] : memref<163840xi32, #tpu.memory_space<hbm>> -> memref<5120xi32, #tpu.memory_space<hbm>>
      %dma_wait3A_48 = tpu.memref_slice %arg3[%mul3A_6] : memref<163840xi32, #tpu.memory_space<hbm>> -> memref<5120xi32, #tpu.memory_space<hbm>>
      tpu.wait_dma2 semaphore(%run_scoped3A : memref<!tpu.dma_semaphore, #tpu.memory_space<semaphore_mem>>) src(%dma_wait3A_48 : memref<5120xi32, #tpu.memory_space<hbm>>) dst(%arg11 : memref<5120xi32, #tpu.memory_space<vmem>>)
      tpu.yield
    }) : () -> ()
    %mul3A_7 = arith.constant 6 : i32
    %mul3A_8 = arith.muli %mul3A_2, %mul3A_7 : i32
    "tpu.region"() ({
      %run_scoped3A = tpu.sem_alloc : memref<!tpu.dma_semaphore, #tpu.memory_space<semaphore_mem>>
      %dma_start3A_46 = tpu.memref_slice %arg4[%mul3A_8] : memref<98304xi32, #tpu.memory_space<hbm>> -> memref<3072xi32, #tpu.memory_space<hbm>>
      %dma_start3A_47 = tpu.memref_slice %arg4[%mul3A_8] : memref<98304xi32, #tpu.memory_space<hbm>> -> memref<3072xi32, #tpu.memory_space<hbm>>
      tpu.enqueue_dma source(%dma_start3A_47 : memref<3072xi32, #tpu.memory_space<hbm>>) target(%arg12 : memref<3072xi32, #tpu.memory_space<vmem>>) target_semaphore(%run_scoped3A : memref<!tpu.dma_semaphore, #tpu.memory_space<semaphore_mem>>)
      %dma_wait3A = tpu.memref_slice %arg4[%mul3A_8] : memref<98304xi32, #tpu.memory_space<hbm>> -> memref<3072xi32, #tpu.memory_space<hbm>>
      %dma_wait3A_48 = tpu.memref_slice %arg4[%mul3A_8] : memref<98304xi32, #tpu.memory_space<hbm>> -> memref<3072xi32, #tpu.memory_space<hbm>>
      tpu.wait_dma2 semaphore(%run_scoped3A : memref<!tpu.dma_semaphore, #tpu.memory_space<semaphore_mem>>) src(%dma_wait3A_48 : memref<3072xi32, #tpu.memory_space<hbm>>) dst(%arg12 : memref<3072xi32, #tpu.memory_space<vmem>>)
      tpu.yield
    }) : () -> ()
    %mul3A_9 = arith.constant 6 : i32
    %mul3A_10 = arith.muli %mul3A_2, %mul3A_9 : i32
    "tpu.region"() ({
      %run_scoped3A = tpu.sem_alloc : memref<!tpu.dma_semaphore, #tpu.memory_space<semaphore_mem>>
      %dma_start3A_46 = tpu.memref_slice %arg5[%mul3A_10] : memref<98304xi32, #tpu.memory_space<hbm>> -> memref<3072xi32, #tpu.memory_space<hbm>>
      %dma_start3A_47 = tpu.memref_slice %arg5[%mul3A_10] : memref<98304xi32, #tpu.memory_space<hbm>> -> memref<3072xi32, #tpu.memory_space<hbm>>
      tpu.enqueue_dma source(%dma_start3A_47 : memref<3072xi32, #tpu.memory_space<hbm>>) target(%arg13 : memref<3072xi32, #tpu.memory_space<vmem>>) target_semaphore(%run_scoped3A : memref<!tpu.dma_semaphore, #tpu.memory_space<semaphore_mem>>)
      %dma_wait3A = tpu.memref_slice %arg5[%mul3A_10] : memref<98304xi32, #tpu.memory_space<hbm>> -> memref<3072xi32, #tpu.memory_space<hbm>>
      %dma_wait3A_48 = tpu.memref_slice %arg5[%mul3A_10] : memref<98304xi32, #tpu.memory_space<hbm>> -> memref<3072xi32, #tpu.memory_space<hbm>>
      tpu.wait_dma2 semaphore(%run_scoped3A : memref<!tpu.dma_semaphore, #tpu.memory_space<semaphore_mem>>) src(%dma_wait3A_48 : memref<3072xi32, #tpu.memory_space<hbm>>) dst(%arg13 : memref<3072xi32, #tpu.memory_space<vmem>>)
      tpu.yield
    }) : () -> ()
    %iota3A = tpu.iota {dimensions = array<i32: 0>} : vector<16xi32>
    %dma_start3A = arith.constant 0 : i32
    %dma_start3A_11 = arith.constant 0 : i32
    %dma_start3A_12 = tpu.memref_slice %arg14[%dma_start3A, %dma_start3A_11] : memref<160x128xf32, #tpu.memory_space<vmem>> -> memref<128x128xf32, #tpu.memory_space<vmem>>
    %dma_start3A_13 = arith.constant 0 : i32
    %dma_start3A_14 = tpu.memref_slice %arg10[%dma_start3A_13] : memref<5120xi32, #tpu.memory_space<vmem>> -> memref<128xi32, #tpu.memory_space<vmem>>
    %dma_start3A_15 = arith.constant 0 : i32
    %dma_start3A_16 = arith.constant 0 : i32
    %dma_start3A_17 = tpu.memref_slice %arg6[%dma_start3A_15, %dma_start3A_16] : memref<1000000x128xf32, #tpu.memory_space<hbm>> -> memref<1000000x128xf32, #tpu.memory_space<hbm>>
    tpu.enqueue_indirect_dma source(%dma_start3A_17 : memref<1000000x128xf32, #tpu.memory_space<hbm>>) target(%dma_start3A_12 : memref<128x128xf32, #tpu.memory_space<vmem>>) offsets(%dma_start3A_14 : memref<128xi32, #tpu.memory_space<vmem>>) semaphore(%arg20 : memref<!tpu.dma_semaphore, #tpu.memory_space<semaphore_mem>>)
    %dma_start3A_18 = arith.constant 128 : i32
    %dma_start3A_19 = arith.constant 0 : i32
    %dma_start3A_20 = tpu.memref_slice %arg14[%dma_start3A_18, %dma_start3A_19] : memref<160x128xf32, #tpu.memory_space<vmem>> -> memref<32x128xf32, #tpu.memory_space<vmem>>
    %dma_start3A_21 = arith.constant 128 : i32
    %dma_start3A_22 = tpu.memref_slice %arg10[%dma_start3A_21] : memref<5120xi32, #tpu.memory_space<vmem>> -> memref<32xi32, #tpu.memory_space<vmem>>
    %dma_start3A_23 = arith.constant 0 : i32
    %dma_start3A_24 = arith.constant 0 : i32
    %dma_start3A_25 = tpu.memref_slice %arg6[%dma_start3A_23, %dma_start3A_24] : memref<1000000x128xf32, #tpu.memory_space<hbm>> -> memref<1000000x128xf32, #tpu.memory_space<hbm>>
    tpu.enqueue_indirect_dma source(%dma_start3A_25 : memref<1000000x128xf32, #tpu.memory_space<hbm>>) target(%dma_start3A_20 : memref<32x128xf32, #tpu.memory_space<vmem>>) offsets(%dma_start3A_22 : memref<32xi32, #tpu.memory_space<vmem>>) semaphore(%arg20 : memref<!tpu.dma_semaphore, #tpu.memory_space<semaphore_mem>>)
    %dma_start3A_26 = arith.constant 0 : i32
    %dma_start3A_27 = tpu.memref_slice %arg12[%dma_start3A_26] : memref<3072xi32, #tpu.memory_space<vmem>> -> memref<96xi32, #tpu.memory_space<vmem>>
    %dma_start3A_28 = arith.constant 0 : i32
    %dma_start3A_29 = arith.constant 0 : i32
    %dma_start3A_30 = tpu.memref_slice %arg7[%dma_start3A_28, %dma_start3A_29] : memref<1000000x128xf32, #tpu.memory_space<hbm>> -> memref<1000000x128xf32, #tpu.memory_space<hbm>>
    tpu.enqueue_indirect_dma source(%dma_start3A_30 : memref<1000000x128xf32, #tpu.memory_space<hbm>>) target(%arg16 : memref<96x128xf32, #tpu.memory_space<vmem>>) offsets(%dma_start3A_27 : memref<96xi32, #tpu.memory_space<vmem>>) semaphore(%arg20 : memref<!tpu.dma_semaphore, #tpu.memory_space<semaphore_mem>>)
    %scan3A = arith.constant 0 : i32
    %scan3A_31 = arith.constant 0 : i32
    %scan3A_32 = arith.constant 16 : i32
    %scan3A_33 = arith.addi %scan3A_31, %scan3A_32 : i32
    %scan3A_34 = arith.constant 1 : i32
    scf.for %scan3A_46 = %scan3A_31 to %scan3A_33 step %scan3A_34  : i32 {
      %mul3A_47 = arith.constant 2 : i32
      %mul3A_48 = arith.muli %mul3A_47, %scan3A_46 : i32
      %add3A_49 = arith.constant 1 : i32
      %add3A_50 = arith.addi %mul3A_48, %add3A_49 : i32
      %mul3A_51 = arith.constant 160 : i32
      %mul3A_52 = arith.muli %add3A_50, %mul3A_51 : i32
      %dma_start3A_53 = arith.constant 0 : i32
      %dma_start3A_54 = arith.constant 0 : i32
      %dma_start3A_55 = tpu.memref_slice %arg15[%dma_start3A_53, %dma_start3A_54] : memref<160x128xf32, #tpu.memory_space<vmem>> -> memref<128x128xf32, #tpu.memory_space<vmem>>
      %dma_start3A_56 = tpu.memref_slice %arg10[%mul3A_52] : memref<5120xi32, #tpu.memory_space<vmem>> -> memref<128xi32, #tpu.memory_space<vmem>>
      %dma_start3A_57 = arith.constant 0 : i32
      %dma_start3A_58 = arith.constant 0 : i32
      %dma_start3A_59 = tpu.memref_slice %arg6[%dma_start3A_57, %dma_start3A_58] : memref<1000000x128xf32, #tpu.memory_space<hbm>> -> memref<1000000x128xf32, #tpu.memory_space<hbm>>
      tpu.enqueue_indirect_dma source(%dma_start3A_59 : memref<1000000x128xf32, #tpu.memory_space<hbm>>) target(%dma_start3A_55 : memref<128x128xf32, #tpu.memory_space<vmem>>) offsets(%dma_start3A_56 : memref<128xi32, #tpu.memory_space<vmem>>) semaphore(%arg21 : memref<!tpu.dma_semaphore, #tpu.memory_space<semaphore_mem>>)
      %mul3A_60 = arith.constant 160 : i32
      %mul3A_61 = arith.muli %add3A_50, %mul3A_60 : i32
      %add3A_62 = arith.constant 128 : i32
      %add3A_63 = arith.addi %mul3A_61, %add3A_62 : i32
      %dma_start3A_64 = arith.constant 128 : i32
      %dma_start3A_65 = arith.constant 0 : i32
      %dma_start3A_66 = tpu.memref_slice %arg15[%dma_start3A_64, %dma_start3A_65] : memref<160x128xf32, #tpu.memory_space<vmem>> -> memref<32x128xf32, #tpu.memory_space<vmem>>
      %dma_start3A_67 = tpu.memref_slice %arg10[%add3A_63] : memref<5120xi32, #tpu.memory_space<vmem>> -> memref<32xi32, #tpu.memory_space<vmem>>
      %dma_start3A_68 = arith.constant 0 : i32
      %dma_start3A_69 = arith.constant 0 : i32
      %dma_start3A_70 = tpu.memref_slice %arg6[%dma_start3A_68, %dma_start3A_69] : memref<1000000x128xf32, #tpu.memory_space<hbm>> -> memref<1000000x128xf32, #tpu.memory_space<hbm>>
      tpu.enqueue_indirect_dma source(%dma_start3A_70 : memref<1000000x128xf32, #tpu.memory_space<hbm>>) target(%dma_start3A_66 : memref<32x128xf32, #tpu.memory_space<vmem>>) offsets(%dma_start3A_67 : memref<32xi32, #tpu.memory_space<vmem>>) semaphore(%arg21 : memref<!tpu.dma_semaphore, #tpu.memory_space<semaphore_mem>>)
      %mul3A_71 = arith.constant 96 : i32
      %mul3A_72 = arith.muli %add3A_50, %mul3A_71 : i32
      %dma_start3A_73 = tpu.memref_slice %arg12[%mul3A_72] : memref<3072xi32, #tpu.memory_space<vmem>> -> memref<96xi32, #tpu.memory_space<vmem>>
      %dma_start3A_74 = arith.constant 0 : i32
      %dma_start3A_75 = arith.constant 0 : i32
      %dma_start3A_76 = tpu.memref_slice %arg7[%dma_start3A_74, %dma_start3A_75] : memref<1000000x128xf32, #tpu.memory_space<hbm>> -> memref<1000000x128xf32, #tpu.memory_space<hbm>>
      tpu.enqueue_indirect_dma source(%dma_start3A_76 : memref<1000000x128xf32, #tpu.memory_space<hbm>>) target(%arg17 : memref<96x128xf32, #tpu.memory_space<vmem>>) offsets(%dma_start3A_73 : memref<96xi32, #tpu.memory_space<vmem>>) semaphore(%arg21 : memref<!tpu.dma_semaphore, #tpu.memory_space<semaphore_mem>>)
      %dma_wait3A = arith.constant 0 : i32
      %dma_wait3A_77 = arith.constant 0 : i32
      %dma_wait3A_78 = tpu.memref_slice %arg6[%dma_wait3A, %dma_wait3A_77] : memref<1000000x128xf32, #tpu.memory_space<hbm>> -> memref<160x128xf32, #tpu.memory_space<hbm>>
      %dma_wait3A_79 = arith.constant 0 : i32
      %dma_wait3A_80 = arith.constant 0 : i32
      %dma_wait3A_81 = tpu.memref_slice %arg6[%dma_wait3A_79, %dma_wait3A_80] : memref<1000000x128xf32, #tpu.memory_space<hbm>> -> memref<160x128xf32, #tpu.memory_space<hbm>>
      tpu.wait_dma2 semaphore(%arg20 : memref<!tpu.dma_semaphore, #tpu.memory_space<semaphore_mem>>) src(%dma_wait3A_81 : memref<160x128xf32, #tpu.memory_space<hbm>>) dst(%arg14 : memref<160x128xf32, #tpu.memory_space<vmem>>)
      %dma_wait3A_82 = arith.constant 0 : i32
      %dma_wait3A_83 = arith.constant 0 : i32
      %dma_wait3A_84 = tpu.memref_slice %arg7[%dma_wait3A_82, %dma_wait3A_83] : memref<1000000x128xf32, #tpu.memory_space<hbm>> -> memref<96x128xf32, #tpu.memory_space<hbm>>
      %dma_wait3A_85 = arith.constant 0 : i32
      %dma_wait3A_86 = arith.constant 0 : i32
      %dma_wait3A_87 = tpu.memref_slice %arg7[%dma_wait3A_85, %dma_wait3A_86] : memref<1000000x128xf32, #tpu.memory_space<hbm>> -> memref<96x128xf32, #tpu.memory_space<hbm>>
      tpu.wait_dma2 semaphore(%arg20 : memref<!tpu.dma_semaphore, #tpu.memory_space<semaphore_mem>>) src(%dma_wait3A_87 : memref<96x128xf32, #tpu.memory_space<hbm>>) dst(%arg16 : memref<96x128xf32, #tpu.memory_space<vmem>>)
      %mul3A_88 = arith.constant 10 : i32
      %mul3A_89 = vector.broadcast %mul3A_88 : i32 to vector<16xi32>
      %mul3A_90 = arith.muli %iota3A, %mul3A_89 : vector<16xi32>
      %add3A_91 = arith.constant 0 : i32
      %add3A_92 = vector.broadcast %add3A_91 : i32 to vector<16xi32>
      %add3A_93 = arith.addi %mul3A_90, %add3A_92 : vector<16xi32>
      %mul3A_94 = arith.constant 10 : i32
      %mul3A_95 = vector.broadcast %mul3A_94 : i32 to vector<16xi32>
      %mul3A_96 = arith.muli %iota3A, %mul3A_95 : vector<16xi32>
      %add3A_97 = arith.constant 1 : i32
      %add3A_98 = vector.broadcast %add3A_97 : i32 to vector<16xi32>
      %add3A_99 = arith.addi %mul3A_96, %add3A_98 : vector<16xi32>
      %mul3A_100 = arith.constant 10 : i32
      %mul3A_101 = vector.broadcast %mul3A_100 : i32 to vector<16xi32>
      %mul3A_102 = arith.muli %iota3A, %mul3A_101 : vector<16xi32>
      %add3A_103 = arith.constant 2 : i32
      %add3A_104 = vector.broadcast %add3A_103 : i32 to vector<16xi32>
      %add3A_105 = arith.addi %mul3A_102, %add3A_104 : vector<16xi32>
      %mul3A_106 = arith.constant 10 : i32
      %mul3A_107 = vector.broadcast %mul3A_106 : i32 to vector<16xi32>
      %mul3A_108 = arith.muli %iota3A, %mul3A_107 : vector<16xi32>
      %add3A_109 = arith.constant 3 : i32
      %add3A_110 = vector.broadcast %add3A_109 : i32 to vector<16xi32>
      %add3A_111 = arith.addi %mul3A_108, %add3A_110 : vector<16xi32>
      %mul3A_112 = arith.constant 10 : i32
      %mul3A_113 = vector.broadcast %mul3A_112 : i32 to vector<16xi32>
      %mul3A_114 = arith.muli %iota3A, %mul3A_113 : vector<16xi32>
      %add3A_115 = arith.constant 4 : i32
      %add3A_116 = vector.broadcast %add3A_115 : i32 to vector<16xi32>
      %add3A_117 = arith.addi %mul3A_114, %add3A_116 : vector<16xi32>
      %mul3A_118 = arith.constant 10 : i32
      %mul3A_119 = vector.broadcast %mul3A_118 : i32 to vector<16xi32>
      %mul3A_120 = arith.muli %iota3A, %mul3A_119 : vector<16xi32>
      %add3A_121 = arith.constant 5 : i32
      %add3A_122 = vector.broadcast %add3A_121 : i32 to vector<16xi32>
      %add3A_123 = arith.addi %mul3A_120, %add3A_122 : vector<16xi32>
      %mul3A_124 = arith.constant 10 : i32
      %mul3A_125 = vector.broadcast %mul3A_124 : i32 to vector<16xi32>
      %mul3A_126 = arith.muli %iota3A, %mul3A_125 : vector<16xi32>
      %add3A_127 = arith.constant 6 : i32
      %add3A_128 = vector.broadcast %add3A_127 : i32 to vector<16xi32>
      %add3A_129 = arith.addi %mul3A_126, %add3A_128 : vector<16xi32>
      %mul3A_130 = arith.constant 10 : i32
      %mul3A_131 = vector.broadcast %mul3A_130 : i32 to vector<16xi32>
      %mul3A_132 = arith.muli %iota3A, %mul3A_131 : vector<16xi32>
      %add3A_133 = arith.constant 7 : i32
      %add3A_134 = vector.broadcast %add3A_133 : i32 to vector<16xi32>
      %add3A_135 = arith.addi %mul3A_132, %add3A_134 : vector<16xi32>
      %mul3A_136 = arith.constant 10 : i32
      %mul3A_137 = vector.broadcast %mul3A_136 : i32 to vector<16xi32>
      %mul3A_138 = arith.muli %iota3A, %mul3A_137 : vector<16xi32>
      %add3A_139 = arith.constant 8 : i32
      %add3A_140 = vector.broadcast %add3A_139 : i32 to vector<16xi32>
      %add3A_141 = arith.addi %mul3A_138, %add3A_140 : vector<16xi32>
      %mul3A_142 = arith.constant 10 : i32
      %mul3A_143 = vector.broadcast %mul3A_142 : i32 to vector<16xi32>
      %mul3A_144 = arith.muli %iota3A, %mul3A_143 : vector<16xi32>
      %add3A_145 = arith.constant 9 : i32
      %add3A_146 = vector.broadcast %add3A_145 : i32 to vector<16xi32>
      %add3A_147 = arith.addi %mul3A_144, %add3A_146 : vector<16xi32>
      %mul3A_148 = arith.constant 10 : i32
      %mul3A_149 = vector.broadcast %mul3A_148 : i32 to vector<16xi32>
      %mul3A_150 = arith.muli %iota3A, %mul3A_149 : vector<16xi32>
      %mul3A_151 = arith.constant 160 : i32
      %mul3A_152 = arith.muli %mul3A_48, %mul3A_151 : i32
      %add3A_153 = arith.constant 0 : i32
      %add3A_154 = arith.addi %mul3A_152, %add3A_153 : i32
      %add3A_155 = vector.broadcast %add3A_154 : i32 to vector<16xi32>
      %add3A_156 = arith.addi %mul3A_150, %add3A_155 : vector<16xi32>
      %gather3A = tpu.vector_load_idx %arg11[%add3A_156] : memref<5120xi32, #tpu.memory_space<vmem>>[vector<16xi32>], vector<16xi32>,
      %mul3A_157 = arith.constant 10 : i32
      %mul3A_158 = vector.broadcast %mul3A_157 : i32 to vector<16xi32>
      %mul3A_159 = arith.muli %iota3A, %mul3A_158 : vector<16xi32>
      %mul3A_160 = arith.constant 160 : i32
      %mul3A_161 = arith.muli %mul3A_48, %mul3A_160 : i32
      %add3A_162 = arith.constant 1 : i32
      %add3A_163 = arith.addi %mul3A_161, %add3A_162 : i32
      %add3A_164 = vector.broadcast %add3A_163 : i32 to vector<16xi32>
      %add3A_165 = arith.addi %mul3A_159, %add3A_164 : vector<16xi32>
      %gather3A_166 = tpu.vector_load_idx %arg11[%add3A_165] : memref<5120xi32, #tpu.memory_space<vmem>>[vector<16xi32>], vector<16xi32>,
      %mul3A_167 = arith.constant 10 : i32
      %mul3A_168 = vector.broadcast %mul3A_167 : i32 to vector<16xi32>
      %mul3A_169 = arith.muli %iota3A, %mul3A_168 : vector<16xi32>
      %mul3A_170 = arith.constant 160 : i32
      %mul3A_171 = arith.muli %mul3A_48, %mul3A_170 : i32
      %add3A_172 = arith.constant 2 : i32
      %add3A_173 = arith.addi %mul3A_171, %add3A_172 : i32
      %add3A_174 = vector.broadcast %add3A_173 : i32 to vector<16xi32>
      %add3A_175 = arith.addi %mul3A_169, %add3A_174 : vector<16xi32>
      %gather3A_176 = tpu.vector_load_idx %arg11[%add3A_175] : memref<5120xi32, #tpu.memory_space<vmem>>[vector<16xi32>], vector<16xi32>,
      %mul3A_177 = arith.constant 10 : i32
      %mul3A_178 = vector.broadcast %mul3A_177 : i32 to vector<16xi32>
      %mul3A_179 = arith.muli %iota3A, %mul3A_178 : vector<16xi32>
      %mul3A_180 = arith.constant 160 : i32
      %mul3A_181 = arith.muli %mul3A_48, %mul3A_180 : i32
      %add3A_182 = arith.constant 3 : i32
      %add3A_183 = arith.addi %mul3A_181, %add3A_182 : i32
      %add3A_184 = vector.broadcast %add3A_183 : i32 to vector<16xi32>
      %add3A_185 = arith.addi %mul3A_179, %add3A_184 : vector<16xi32>
      %gather3A_186 = tpu.vector_load_idx %arg11[%add3A_185] : memref<5120xi32, #tpu.memory_space<vmem>>[vector<16xi32>], vector<16xi32>,
      %mul3A_187 = arith.constant 10 : i32
      %mul3A_188 = vector.broadcast %mul3A_187 : i32 to vector<16xi32>
      %mul3A_189 = arith.muli %iota3A, %mul3A_188 : vector<16xi32>
      %mul3A_190 = arith.constant 160 : i32
      %mul3A_191 = arith.muli %mul3A_48, %mul3A_190 : i32
      %add3A_192 = arith.constant 4 : i32
      %add3A_193 = arith.addi %mul3A_191, %add3A_192 : i32
      %add3A_194 = vector.broadcast %add3A_193 : i32 to vector<16xi32>
      %add3A_195 = arith.addi %mul3A_189, %add3A_194 : vector<16xi32>
      %gather3A_196 = tpu.vector_load_idx %arg11[%add3A_195] : memref<5120xi32, #tpu.memory_space<vmem>>[vector<16xi32>], vector<16xi32>,
      %mul3A_197 = arith.constant 10 : i32
      %mul3A_198 = vector.broadcast %mul3A_197 : i32 to vector<16xi32>
      %mul3A_199 = arith.muli %iota3A, %mul3A_198 : vector<16xi32>
      %mul3A_200 = arith.constant 160 : i32
      %mul3A_201 = arith.muli %mul3A_48, %mul3A_200 : i32
      %add3A_202 = arith.constant 5 : i32
      %add3A_203 = arith.addi %mul3A_201, %add3A_202 : i32
      %add3A_204 = vector.broadcast %add3A_203 : i32 to vector<16xi32>
      %add3A_205 = arith.addi %mul3A_199, %add3A_204 : vector<16xi32>
      %gather3A_206 = tpu.vector_load_idx %arg11[%add3A_205] : memref<5120xi32, #tpu.memory_space<vmem>>[vector<16xi32>], vector<16xi32>,
      %mul3A_207 = arith.constant 10 : i32
      %mul3A_208 = vector.broadcast %mul3A_207 : i32 to vector<16xi32>
      %mul3A_209 = arith.muli %iota3A, %mul3A_208 : vector<16xi32>
      %mul3A_210 = arith.constant 160 : i32
      %mul3A_211 = arith.muli %mul3A_48, %mul3A_210 : i32
      %add3A_212 = arith.constant 6 : i32
      %add3A_213 = arith.addi %mul3A_211, %add3A_212 : i32
      %add3A_214 = vector.broadcast %add3A_213 : i32 to vector<16xi32>
      %add3A_215 = arith.addi %mul3A_209, %add3A_214 : vector<16xi32>
      %gather3A_216 = tpu.vector_load_idx %arg11[%add3A_215] : memref<5120xi32, #tpu.memory_space<vmem>>[vector<16xi32>], vector<16xi32>,
      %mul3A_217 = arith.constant 10 : i32
      %mul3A_218 = vector.broadcast %mul3A_217 : i32 to vector<16xi32>
      %mul3A_219 = arith.muli %iota3A, %mul3A_218 : vector<16xi32>
      %mul3A_220 = arith.constant 160 : i32
      %mul3A_221 = arith.muli %mul3A_48, %mul3A_220 : i32
      %add3A_222 = arith.constant 7 : i32
      %add3A_223 = arith.addi %mul3A_221, %add3A_222 : i32
      %add3A_224 = vector.broadcast %add3A_223 : i32 to vector<16xi32>
      %add3A_225 = arith.addi %mul3A_219, %add3A_224 : vector<16xi32>
      %gather3A_226 = tpu.vector_load_idx %arg11[%add3A_225] : memref<5120xi32, #tpu.memory_space<vmem>>[vector<16xi32>], vector<16xi32>,
      %mul3A_227 = arith.constant 10 : i32
      %mul3A_228 = vector.broadcast %mul3A_227 : i32 to vector<16xi32>
      %mul3A_229 = arith.muli %iota3A, %mul3A_228 : vector<16xi32>
      %mul3A_230 = arith.constant 160 : i32
      %mul3A_231 = arith.muli %mul3A_48, %mul3A_230 : i32
      %add3A_232 = arith.constant 8 : i32
      %add3A_233 = arith.addi %mul3A_231, %add3A_232 : i32
      %add3A_234 = vector.broadcast %add3A_233 : i32 to vector<16xi32>
      %add3A_235 = arith.addi %mul3A_229, %add3A_234 : vector<16xi32>
      %gather3A_236 = tpu.vector_load_idx %arg11[%add3A_235] : memref<5120xi32, #tpu.memory_space<vmem>>[vector<16xi32>], vector<16xi32>,
      %mul3A_237 = arith.constant 10 : i32
      %mul3A_238 = vector.broadcast %mul3A_237 : i32 to vector<16xi32>
      %mul3A_239 = arith.muli %iota3A, %mul3A_238 : vector<16xi32>
      %mul3A_240 = arith.constant 160 : i32
      %mul3A_241 = arith.muli %mul3A_48, %mul3A_240 : i32
      %add3A_242 = arith.constant 9 : i32
      %add3A_243 = arith.addi %mul3A_241, %add3A_242 : i32
      %add3A_244 = vector.broadcast %add3A_243 : i32 to vector<16xi32>
      %add3A_245 = arith.addi %mul3A_239, %add3A_244 : vector<16xi32>
      %gather3A_246 = tpu.vector_load_idx %arg11[%add3A_245] : memref<5120xi32, #tpu.memory_space<vmem>>[vector<16xi32>], vector<16xi32>,
      %mul3A_247 = arith.constant 6 : i32
      %mul3A_248 = vector.broadcast %mul3A_247 : i32 to vector<16xi32>
      %mul3A_249 = arith.muli %iota3A, %mul3A_248 : vector<16xi32>
      %add3A_250 = arith.constant 0 : i32
      %add3A_251 = vector.broadcast %add3A_250 : i32 to vector<16xi32>
      %add3A_252 = arith.addi %mul3A_249, %add3A_251 : vector<16xi32>
      %mul3A_253 = arith.constant 6 : i32
      %mul3A_254 = vector.broadcast %mul3A_253 : i32 to vector<16xi32>
      %mul3A_255 = arith.muli %iota3A, %mul3A_254 : vector<16xi32>
      %add3A_256 = arith.constant 1 : i32
      %add3A_257 = vector.broadcast %add3A_256 : i32 to vector<16xi32>
      %add3A_258 = arith.addi %mul3A_255, %add3A_257 : vector<16xi32>
      %mul3A_259 = arith.constant 6 : i32
      %mul3A_260 = vector.broadcast %mul3A_259 : i32 to vector<16xi32>
      %mul3A_261 = arith.muli %iota3A, %mul3A_260 : vector<16xi32>
      %add3A_262 = arith.constant 2 : i32
      %add3A_263 = vector.broadcast %add3A_262 : i32 to vector<16xi32>
      %add3A_264 = arith.addi %mul3A_261, %add3A_263 : vector<16xi32>
      %mul3A_265 = arith.constant 6 : i32
      %mul3A_266 = vector.broadcast %mul3A_265 : i32 to vector<16xi32>
      %mul3A_267 = arith.muli %iota3A, %mul3A_266 : vector<16xi32>
      %add3A_268 = arith.constant 3 : i32
      %add3A_269 = vector.broadcast %add3A_268 : i32 to vector<16xi32>
      %add3A_270 = arith.addi %mul3A_267, %add3A_269 : vector<16xi32>
      %mul3A_271 = arith.constant 6 : i32
      %mul3A_272 = vector.broadcast %mul3A_271 : i32 to vector<16xi32>
      %mul3A_273 = arith.muli %iota3A, %mul3A_272 : vector<16xi32>
      %add3A_274 = arith.constant 4 : i32
      %add3A_275 = vector.broadcast %add3A_274 : i32 to vector<16xi32>
      %add3A_276 = arith.addi %mul3A_273, %add3A_275 : vector<16xi32>
      %mul3A_277 = arith.constant 6 : i32
      %mul3A_278 = vector.broadcast %mul3A_277 : i32 to vector<16xi32>
      %mul3A_279 = arith.muli %iota3A, %mul3A_278 : vector<16xi32>
      %add3A_280 = arith.constant 5 : i32
      %add3A_281 = vector.broadcast %add3A_280 : i32 to vector<16xi32>
      %add3A_282 = arith.addi %mul3A_279, %add3A_281 : vector<16xi32>
      %mul3A_283 = arith.constant 6 : i32
      %mul3A_284 = vector.broadcast %mul3A_283 : i32 to vector<16xi32>
      %mul3A_285 = arith.muli %iota3A, %mul3A_284 : vector<16xi32>
      %mul3A_286 = arith.constant 96 : i32
      %mul3A_287 = arith.muli %mul3A_48, %mul3A_286 : i32
      %add3A_288 = arith.constant 0 : i32
      %add3A_289 = arith.addi %mul3A_287, %add3A_288 : i32
      %add3A_290 = vector.broadcast %add3A_289 : i32 to vector<16xi32>
      %add3A_291 = arith.addi %mul3A_285, %add3A_290 : vector<16xi32>
      %gather3A_292 = tpu.vector_load_idx %arg13[%add3A_291] : memref<3072xi32, #tpu.memory_space<vmem>>[vector<16xi32>], vector<16xi32>,
      %mul3A_293 = arith.constant 6 : i32
      %mul3A_294 = vector.broadcast %mul3A_293 : i32 to vector<16xi32>
      %mul3A_295 = arith.muli %iota3A, %mul3A_294 : vector<16xi32>
      %mul3A_296 = arith.constant 96 : i32
      %mul3A_297 = arith.muli %mul3A_48, %mul3A_296 : i32
      %add3A_298 = arith.constant 1 : i32
      %add3A_299 = arith.addi %mul3A_297, %add3A_298 : i32
      %add3A_300 = vector.broadcast %add3A_299 : i32 to vector<16xi32>
      %add3A_301 = arith.addi %mul3A_295, %add3A_300 : vector<16xi32>
      %gather3A_302 = tpu.vector_load_idx %arg13[%add3A_301] : memref<3072xi32, #tpu.memory_space<vmem>>[vector<16xi32>], vector<16xi32>,
      %mul3A_303 = arith.constant 6 : i32
      %mul3A_304 = vector.broadcast %mul3A_303 : i32 to vector<16xi32>
      %mul3A_305 = arith.muli %iota3A, %mul3A_304 : vector<16xi32>
      %mul3A_306 = arith.constant 96 : i32
      %mul3A_307 = arith.muli %mul3A_48, %mul3A_306 : i32
      %add3A_308 = arith.constant 2 : i32
      %add3A_309 = arith.addi %mul3A_307, %add3A_308 : i32
      %add3A_310 = vector.broadcast %add3A_309 : i32 to vector<16xi32>
      %add3A_311 = arith.addi %mul3A_305, %add3A_310 : vector<16xi32>
      %gather3A_312 = tpu.vector_load_idx %arg13[%add3A_311] : memref<3072xi32, #tpu.memory_space<vmem>>[vector<16xi32>], vector<16xi32>,
      %mul3A_313 = arith.constant 6 : i32
      %mul3A_314 = vector.broadcast %mul3A_313 : i32 to vector<16xi32>
      %mul3A_315 = arith.muli %iota3A, %mul3A_314 : vector<16xi32>
      %mul3A_316 = arith.constant 96 : i32
      %mul3A_317 = arith.muli %mul3A_48, %mul3A_316 : i32
      %add3A_318 = arith.constant 3 : i32
      %add3A_319 = arith.addi %mul3A_317, %add3A_318 : i32
      %add3A_320 = vector.broadcast %add3A_319 : i32 to vector<16xi32>
      %add3A_321 = arith.addi %mul3A_315, %add3A_320 : vector<16xi32>
      %gather3A_322 = tpu.vector_load_idx %arg13[%add3A_321] : memref<3072xi32, #tpu.memory_space<vmem>>[vector<16xi32>], vector<16xi32>,
      %mul3A_323 = arith.constant 6 : i32
      %mul3A_324 = vector.broadcast %mul3A_323 : i32 to vector<16xi32>
      %mul3A_325 = arith.muli %iota3A, %mul3A_324 : vector<16xi32>
      %mul3A_326 = arith.constant 96 : i32
      %mul3A_327 = arith.muli %mul3A_48, %mul3A_326 : i32
      %add3A_328 = arith.constant 4 : i32
      %add3A_329 = arith.addi %mul3A_327, %add3A_328 : i32
      %add3A_330 = vector.broadcast %add3A_329 : i32 to vector<16xi32>
      %add3A_331 = arith.addi %mul3A_325, %add3A_330 : vector<16xi32>
      %gather3A_332 = tpu.vector_load_idx %arg13[%add3A_331] : memref<3072xi32, #tpu.memory_space<vmem>>[vector<16xi32>], vector<16xi32>,
      %mul3A_333 = arith.constant 6 : i32
      %mul3A_334 = vector.broadcast %mul3A_333 : i32 to vector<16xi32>
      %mul3A_335 = arith.muli %iota3A, %mul3A_334 : vector<16xi32>
      %mul3A_336 = arith.constant 96 : i32
      %mul3A_337 = arith.muli %mul3A_48, %mul3A_336 : i32
      %add3A_338 = arith.constant 5 : i32
      %add3A_339 = arith.addi %mul3A_337, %add3A_338 : i32
      %add3A_340 = vector.broadcast %add3A_339 : i32 to vector<16xi32>
      %add3A_341 = arith.addi %mul3A_335, %add3A_340 : vector<16xi32>
      %gather3A_342 = tpu.vector_load_idx %arg13[%add3A_341] : memref<3072xi32, #tpu.memory_space<vmem>>[vector<16xi32>], vector<16xi32>,
      %broadcast_in_dim3A = arith.constant 0.000000e+00 : f32
      %broadcast_in_dim3A_343 = vector.broadcast %broadcast_in_dim3A : f32 to vector<16xf32>
      %parallel_loop3A = arith.constant 0 : i32
      %parallel_loop3A_344 = arith.constant 64 : i32
      %parallel_loop3A_345 = arith.constant 1 : i32
      %parallel_loop3A_346:6 = scf.for %parallel_loop3A_693 = %parallel_loop3A to %parallel_loop3A_344 step %parallel_loop3A_345 iter_args(%parallel_loop3A_694 = %broadcast_in_dim3A_343, %parallel_loop3A_695 = %broadcast_in_dim3A_343, %parallel_loop3A_696 = %broadcast_in_dim3A_343, %parallel_loop3A_697 = %broadcast_in_dim3A_343, %parallel_loop3A_698 = %broadcast_in_dim3A_343, %parallel_loop3A_699 = %broadcast_in_dim3A_343) -> (vector<16xf32>, vector<16xf32>, vector<16xf32>, vector<16xf32>, vector<16xf32>, vector<16xf32>)  : i32 {
        %parallel_loop3A_700 = vector.broadcast %parallel_loop3A_693 : i32 to vector<16xi32>
        %parallel_loop3A_701 = arith.addi %parallel_loop3A_700, %iota3A : vector<16xi32>
        %parallel_loop3A_702 = arith.constant 63 : i32
        %parallel_loop3A_703 = vector.broadcast %parallel_loop3A_702 : i32 to vector<16xi32>
        %parallel_loop3A_704 = arith.andi %parallel_loop3A_701, %parallel_loop3A_703 : vector<16xi32>
        %parallel_loop3A_705 = arith.addi %gather3A, %parallel_loop3A_704 : vector<16xi32>
        %parallel_loop3A_706 = tpu.vector_load_idx %arg14[%add3A_93, %parallel_loop3A_705] : memref<160x128xf32, #tpu.memory_space<vmem>>[vector<16xi32>, vector<16xi32>], vector<16xf32>,
        %parallel_loop3A_707 = arith.addi %gather3A_166, %parallel_loop3A_704 : vector<16xi32>
        %parallel_loop3A_708 = tpu.vector_load_idx %arg14[%add3A_99, %parallel_loop3A_707] : memref<160x128xf32, #tpu.memory_space<vmem>>[vector<16xi32>, vector<16xi32>], vector<16xf32>,
        %parallel_loop3A_709 = arith.addi %gather3A_176, %parallel_loop3A_704 : vector<16xi32>
        %parallel_loop3A_710 = tpu.vector_load_idx %arg14[%add3A_105, %parallel_loop3A_709] : memref<160x128xf32, #tpu.memory_space<vmem>>[vector<16xi32>, vector<16xi32>], vector<16xf32>,
        %parallel_loop3A_711 = arith.addi %gather3A_186, %parallel_loop3A_704 : vector<16xi32>
        %parallel_loop3A_712 = tpu.vector_load_idx %arg14[%add3A_111, %parallel_loop3A_711] : memref<160x128xf32, #tpu.memory_space<vmem>>[vector<16xi32>, vector<16xi32>], vector<16xf32>,
        %parallel_loop3A_713 = arith.addi %gather3A_196, %parallel_loop3A_704 : vector<16xi32>
        %parallel_loop3A_714 = tpu.vector_load_idx %arg14[%add3A_117, %parallel_loop3A_713] : memref<160x128xf32, #tpu.memory_space<vmem>>[vector<16xi32>, vector<16xi32>], vector<16xf32>,
        %parallel_loop3A_715 = arith.addi %gather3A_206, %parallel_loop3A_704 : vector<16xi32>
        %parallel_loop3A_716 = tpu.vector_load_idx %arg14[%add3A_123, %parallel_loop3A_715] : memref<160x128xf32, #tpu.memory_space<vmem>>[vector<16xi32>, vector<16xi32>], vector<16xf32>,
        %parallel_loop3A_717 = arith.addi %gather3A_216, %parallel_loop3A_704 : vector<16xi32>
        %parallel_loop3A_718 = tpu.vector_load_idx %arg14[%add3A_129, %parallel_loop3A_717] : memref<160x128xf32, #tpu.memory_space<vmem>>[vector<16xi32>, vector<16xi32>], vector<16xf32>,
        %parallel_loop3A_719 = arith.addi %gather3A_226, %parallel_loop3A_704 : vector<16xi32>
        %parallel_loop3A_720 = tpu.vector_load_idx %arg14[%add3A_135, %parallel_loop3A_719] : memref<160x128xf32, #tpu.memory_space<vmem>>[vector<16xi32>, vector<16xi32>], vector<16xf32>,
        %parallel_loop3A_721 = arith.addi %gather3A_236, %parallel_loop3A_704 : vector<16xi32>
        %parallel_loop3A_722 = tpu.vector_load_idx %arg14[%add3A_141, %parallel_loop3A_721] : memref<160x128xf32, #tpu.memory_space<vmem>>[vector<16xi32>, vector<16xi32>], vector<16xf32>,
        %parallel_loop3A_723 = arith.addi %gather3A_246, %parallel_loop3A_704 : vector<16xi32>
        %parallel_loop3A_724 = tpu.vector_load_idx %arg14[%add3A_147, %parallel_loop3A_723] : memref<160x128xf32, #tpu.memory_space<vmem>>[vector<16xi32>, vector<16xi32>], vector<16xf32>,
        %parallel_loop3A_725 = arith.addf %parallel_loop3A_706, %parallel_loop3A_708 : vector<16xf32>
        %parallel_loop3A_726 = arith.addf %parallel_loop3A_710, %parallel_loop3A_712 : vector<16xf32>
        %parallel_loop3A_727 = arith.addf %parallel_loop3A_714, %parallel_loop3A_716 : vector<16xf32>
        %parallel_loop3A_728 = arith.addf %parallel_loop3A_718, %parallel_loop3A_720 : vector<16xf32>
        %parallel_loop3A_729 = arith.addf %parallel_loop3A_722, %parallel_loop3A_724 : vector<16xf32>
        %parallel_loop3A_730 = arith.addf %parallel_loop3A_725, %parallel_loop3A_726 : vector<16xf32>
        %parallel_loop3A_731 = arith.addf %parallel_loop3A_727, %parallel_loop3A_728 : vector<16xf32>
        %parallel_loop3A_732 = arith.addf %parallel_loop3A_730, %parallel_loop3A_731 : vector<16xf32>
        %parallel_loop3A_733 = arith.addf %parallel_loop3A_732, %parallel_loop3A_729 : vector<16xf32>
        %parallel_loop3A_734 = arith.constant 1.000000e-01 : f32
        %parallel_loop3A_735 = vector.broadcast %parallel_loop3A_734 : f32 to vector<16xf32>
        %parallel_loop3A_736 = arith.mulf %parallel_loop3A_733, %parallel_loop3A_735 : vector<16xf32>
        %parallel_loop3A_737 = arith.addi %gather3A_292, %parallel_loop3A_704 : vector<16xi32>
        %parallel_loop3A_738 = tpu.vector_load_idx %arg16[%add3A_252, %parallel_loop3A_737] : memref<96x128xf32, #tpu.memory_space<vmem>>[vector<16xi32>, vector<16xi32>], vector<16xf32>,
        %parallel_loop3A_739 = arith.mulf %parallel_loop3A_738, %parallel_loop3A_736 : vector<16xf32>
        %parallel_loop3A_740 = arith.addf %parallel_loop3A_694, %parallel_loop3A_739 : vector<16xf32>
        %parallel_loop3A_741 = arith.addi %gather3A_302, %parallel_loop3A_704 : vector<16xi32>
        %parallel_loop3A_742 = tpu.vector_load_idx %arg16[%add3A_258, %parallel_loop3A_741] : memref<96x128xf32, #tpu.memory_space<vmem>>[vector<16xi32>, vector<16xi32>], vector<16xf32>,
        %parallel_loop3A_743 = arith.mulf %parallel_loop3A_742, %parallel_loop3A_736 : vector<16xf32>
        %parallel_loop3A_744 = arith.addf %parallel_loop3A_695, %parallel_loop3A_743 : vector<16xf32>
        %parallel_loop3A_745 = arith.addi %gather3A_312, %parallel_loop3A_704 : vector<16xi32>
        %parallel_loop3A_746 = tpu.vector_load_idx %arg16[%add3A_264, %parallel_loop3A_745] : memref<96x128xf32, #tpu.memory_space<vmem>>[vector<16xi32>, vector<16xi32>], vector<16xf32>,
        %parallel_loop3A_747 = arith.mulf %parallel_loop3A_746, %parallel_loop3A_736 : vector<16xf32>
        %parallel_loop3A_748 = arith.addf %parallel_loop3A_696, %parallel_loop3A_747 : vector<16xf32>
        %parallel_loop3A_749 = arith.addi %gather3A_322, %parallel_loop3A_704 : vector<16xi32>
        %parallel_loop3A_750 = tpu.vector_load_idx %arg16[%add3A_270, %parallel_loop3A_749] : memref<96x128xf32, #tpu.memory_space<vmem>>[vector<16xi32>, vector<16xi32>], vector<16xf32>,
        %parallel_loop3A_751 = arith.mulf %parallel_loop3A_750, %parallel_loop3A_736 : vector<16xf32>
        %parallel_loop3A_752 = arith.addf %parallel_loop3A_697, %parallel_loop3A_751 : vector<16xf32>
        %parallel_loop3A_753 = arith.addi %gather3A_332, %parallel_loop3A_704 : vector<16xi32>
        %parallel_loop3A_754 = tpu.vector_load_idx %arg16[%add3A_276, %parallel_loop3A_753] : memref<96x128xf32, #tpu.memory_space<vmem>>[vector<16xi32>, vector<16xi32>], vector<16xf32>,
        %parallel_loop3A_755 = arith.mulf %parallel_loop3A_754, %parallel_loop3A_736 : vector<16xf32>
        %parallel_loop3A_756 = arith.addf %parallel_loop3A_698, %parallel_loop3A_755 : vector<16xf32>
        %parallel_loop3A_757 = arith.addi %gather3A_342, %parallel_loop3A_704 : vector<16xi32>
        %parallel_loop3A_758 = tpu.vector_load_idx %arg16[%add3A_282, %parallel_loop3A_757] : memref<96x128xf32, #tpu.memory_space<vmem>>[vector<16xi32>, vector<16xi32>], vector<16xf32>,
        %parallel_loop3A_759 = arith.mulf %parallel_loop3A_758, %parallel_loop3A_736 : vector<16xf32>
        %parallel_loop3A_760 = arith.addf %parallel_loop3A_699, %parallel_loop3A_759 : vector<16xf32>
        scf.yield %parallel_loop3A_740, %parallel_loop3A_744, %parallel_loop3A_748, %parallel_loop3A_752, %parallel_loop3A_756, %parallel_loop3A_760 : vector<16xf32>, vector<16xf32>, vector<16xf32>, vector<16xf32>, vector<16xf32>, vector<16xf32>
      } {sc.loop_unroll_factor = 4 : i64, sc.parallel_access}
      %mul3A_347 = arith.constant 16 : i32
      %mul3A_348 = arith.muli %mul3A_48, %mul3A_347 : i32
      %add3A_349 = vector.broadcast %mul3A_348 : i32 to vector<16xi32>
      %add3A_350 = arith.addi %add3A_349, %iota3A : vector<16xi32>
      tpu.vector_store_idx %arg18[%add3A_350], %parallel_loop3A_346#0 : memref<512xf32, #tpu.memory_space<vmem>>[vector<16xi32>], vector<16xf32>,
      %mul3A_351 = arith.constant 16 : i32
      %mul3A_352 = arith.muli %mul3A_48, %mul3A_351 : i32
      %add3A_353 = arith.constant 0 : i32
      %add3A_354 = arith.addi %add3A_353, %mul3A_352 : i32
      %add3A_355 = vector.broadcast %add3A_354 : i32 to vector<16xi32>
      %add3A_356 = arith.addi %add3A_355, %iota3A : vector<16xi32>
      tpu.vector_store_idx %arg19[%add3A_356], %parallel_loop3A_346#1 : memref<2560xf32, #tpu.memory_space<vmem>>[vector<16xi32>], vector<16xf32>,
      %mul3A_357 = arith.constant 16 : i32
      %mul3A_358 = arith.muli %mul3A_48, %mul3A_357 : i32
      %add3A_359 = arith.constant 512 : i32
      %add3A_360 = arith.addi %add3A_359, %mul3A_358 : i32
      %add3A_361 = vector.broadcast %add3A_360 : i32 to vector<16xi32>
      %add3A_362 = arith.addi %add3A_361, %iota3A : vector<16xi32>
      tpu.vector_store_idx %arg19[%add3A_362], %parallel_loop3A_346#2 : memref<2560xf32, #tpu.memory_space<vmem>>[vector<16xi32>], vector<16xf32>,
      %mul3A_363 = arith.constant 16 : i32
      %mul3A_364 = arith.muli %mul3A_48, %mul3A_363 : i32
      %add3A_365 = arith.constant 1024 : i32
      %add3A_366 = arith.addi %add3A_365, %mul3A_364 : i32
      %add3A_367 = vector.broadcast %add3A_366 : i32 to vector<16xi32>
      %add3A_368 = arith.addi %add3A_367, %iota3A : vector<16xi32>
      tpu.vector_store_idx %arg19[%add3A_368], %parallel_loop3A_346#3 : memref<2560xf32, #tpu.memory_space<vmem>>[vector<16xi32>], vector<16xf32>,
      %mul3A_369 = arith.constant 16 : i32
      %mul3A_370 = arith.muli %mul3A_48, %mul3A_369 : i32
      %add3A_371 = arith.constant 1536 : i32
      %add3A_372 = arith.addi %add3A_371, %mul3A_370 : i32
      %add3A_373 = vector.broadcast %add3A_372 : i32 to vector<16xi32>
      %add3A_374 = arith.addi %add3A_373, %iota3A : vector<16xi32>
      tpu.vector_store_idx %arg19[%add3A_374], %parallel_loop3A_346#4 : memref<2560xf32, #tpu.memory_space<vmem>>[vector<16xi32>], vector<16xf32>,
      %mul3A_375 = arith.constant 16 : i32
      %mul3A_376 = arith.muli %mul3A_48, %mul3A_375 : i32
      %add3A_377 = arith.constant 2048 : i32
      %add3A_378 = arith.addi %add3A_377, %mul3A_376 : i32
      %add3A_379 = vector.broadcast %add3A_378 : i32 to vector<16xi32>
      %add3A_380 = arith.addi %add3A_379, %iota3A : vector<16xi32>
      tpu.vector_store_idx %arg19[%add3A_380], %parallel_loop3A_346#5 : memref<2560xf32, #tpu.memory_space<vmem>>[vector<16xi32>], vector<16xf32>,
      %lt3A = arith.constant 15 : i32
      %lt3A_381 = arith.cmpi slt, %scan3A_46, %lt3A : i32
      %convert_element_type3A = arith.extui %lt3A_381 : i1 to i32
      %cond3A = arith.constant 0 : i32
      %cond3A_382 = arith.cmpi ne, %convert_element_type3A, %cond3A : i32
      scf.if %cond3A_382 {
        %add3A_693 = arith.constant 2 : i32
        %add3A_694 = arith.addi %mul3A_48, %add3A_693 : i32
        %mul3A_695 = arith.constant 160 : i32
        %mul3A_696 = arith.muli %add3A_694, %mul3A_695 : i32
        %dma_start3A_697 = arith.constant 0 : i32
        %dma_start3A_698 = arith.constant 0 : i32
        %dma_start3A_699 = tpu.memref_slice %arg14[%dma_start3A_697, %dma_start3A_698] : memref<160x128xf32, #tpu.memory_space<vmem>> -> memref<128x128xf32, #tpu.memory_space<vmem>>
        %dma_start3A_700 = tpu.memref_slice %arg10[%mul3A_696] : memref<5120xi32, #tpu.memory_space<vmem>> -> memref<128xi32, #tpu.memory_space<vmem>>
        %dma_start3A_701 = arith.constant 0 : i32
        %dma_start3A_702 = arith.constant 0 : i32
        %dma_start3A_703 = tpu.memref_slice %arg6[%dma_start3A_701, %dma_start3A_702] : memref<1000000x128xf32, #tpu.memory_space<hbm>> -> memref<1000000x128xf32, #tpu.memory_space<hbm>>
        tpu.enqueue_indirect_dma source(%dma_start3A_703 : memref<1000000x128xf32, #tpu.memory_space<hbm>>) target(%dma_start3A_699 : memref<128x128xf32, #tpu.memory_space<vmem>>) offsets(%dma_start3A_700 : memref<128xi32, #tpu.memory_space<vmem>>) semaphore(%arg20 : memref<!tpu.dma_semaphore, #tpu.memory_space<semaphore_mem>>)
        %mul3A_704 = arith.constant 160 : i32
        %mul3A_705 = arith.muli %add3A_694, %mul3A_704 : i32
        %add3A_706 = arith.constant 128 : i32
        %add3A_707 = arith.addi %mul3A_705, %add3A_706 : i32
        %dma_start3A_708 = arith.constant 128 : i32
        %dma_start3A_709 = arith.constant 0 : i32
        %dma_start3A_710 = tpu.memref_slice %arg14[%dma_start3A_708, %dma_start3A_709] : memref<160x128xf32, #tpu.memory_space<vmem>> -> memref<32x128xf32, #tpu.memory_space<vmem>>
        %dma_start3A_711 = tpu.memref_slice %arg10[%add3A_707] : memref<5120xi32, #tpu.memory_space<vmem>> -> memref<32xi32, #tpu.memory_space<vmem>>
        %dma_start3A_712 = arith.constant 0 : i32
        %dma_start3A_713 = arith.constant 0 : i32
        %dma_start3A_714 = tpu.memref_slice %arg6[%dma_start3A_712, %dma_start3A_713] : memref<1000000x128xf32, #tpu.memory_space<hbm>> -> memref<1000000x128xf32, #tpu.memory_space<hbm>>
        tpu.enqueue_indirect_dma source(%dma_start3A_714 : memref<1000000x128xf32, #tpu.memory_space<hbm>>) target(%dma_start3A_710 : memref<32x128xf32, #tpu.memory_space<vmem>>) offsets(%dma_start3A_711 : memref<32xi32, #tpu.memory_space<vmem>>) semaphore(%arg20 : memref<!tpu.dma_semaphore, #tpu.memory_space<semaphore_mem>>)
        %mul3A_715 = arith.constant 96 : i32
        %mul3A_716 = arith.muli %add3A_694, %mul3A_715 : i32
        %dma_start3A_717 = tpu.memref_slice %arg12[%mul3A_716] : memref<3072xi32, #tpu.memory_space<vmem>> -> memref<96xi32, #tpu.memory_space<vmem>>
        %dma_start3A_718 = arith.constant 0 : i32
        %dma_start3A_719 = arith.constant 0 : i32
        %dma_start3A_720 = tpu.memref_slice %arg7[%dma_start3A_718, %dma_start3A_719] : memref<1000000x128xf32, #tpu.memory_space<hbm>> -> memref<1000000x128xf32, #tpu.memory_space<hbm>>
        tpu.enqueue_indirect_dma source(%dma_start3A_720 : memref<1000000x128xf32, #tpu.memory_space<hbm>>) target(%arg16 : memref<96x128xf32, #tpu.memory_space<vmem>>) offsets(%dma_start3A_717 : memref<96xi32, #tpu.memory_space<vmem>>) semaphore(%arg20 : memref<!tpu.dma_semaphore, #tpu.memory_space<semaphore_mem>>)
      } else {
      }
      %dma_wait3A_383 = arith.constant 0 : i32
      %dma_wait3A_384 = arith.constant 0 : i32
      %dma_wait3A_385 = tpu.memref_slice %arg6[%dma_wait3A_383, %dma_wait3A_384] : memref<1000000x128xf32, #tpu.memory_space<hbm>> -> memref<160x128xf32, #tpu.memory_space<hbm>>
      %dma_wait3A_386 = arith.constant 0 : i32
      %dma_wait3A_387 = arith.constant 0 : i32
      %dma_wait3A_388 = tpu.memref_slice %arg6[%dma_wait3A_386, %dma_wait3A_387] : memref<1000000x128xf32, #tpu.memory_space<hbm>> -> memref<160x128xf32, #tpu.memory_space<hbm>>
      tpu.wait_dma2 semaphore(%arg21 : memref<!tpu.dma_semaphore, #tpu.memory_space<semaphore_mem>>) src(%dma_wait3A_388 : memref<160x128xf32, #tpu.memory_space<hbm>>) dst(%arg15 : memref<160x128xf32, #tpu.memory_space<vmem>>)
      %dma_wait3A_389 = arith.constant 0 : i32
      %dma_wait3A_390 = arith.constant 0 : i32
      %dma_wait3A_391 = tpu.memref_slice %arg7[%dma_wait3A_389, %dma_wait3A_390] : memref<1000000x128xf32, #tpu.memory_space<hbm>> -> memref<96x128xf32, #tpu.memory_space<hbm>>
      %dma_wait3A_392 = arith.constant 0 : i32
      %dma_wait3A_393 = arith.constant 0 : i32
      %dma_wait3A_394 = tpu.memref_slice %arg7[%dma_wait3A_392, %dma_wait3A_393] : memref<1000000x128xf32, #tpu.memory_space<hbm>> -> memref<96x128xf32, #tpu.memory_space<hbm>>
      tpu.wait_dma2 semaphore(%arg21 : memref<!tpu.dma_semaphore, #tpu.memory_space<semaphore_mem>>) src(%dma_wait3A_394 : memref<96x128xf32, #tpu.memory_space<hbm>>) dst(%arg17 : memref<96x128xf32, #tpu.memory_space<vmem>>)
      %add3A_395 = arith.constant 1 : i32
      %add3A_396 = arith.addi %mul3A_48, %add3A_395 : i32
      %mul3A_397 = arith.constant 10 : i32
      %mul3A_398 = vector.broadcast %mul3A_397 : i32 to vector<16xi32>
      %mul3A_399 = arith.muli %iota3A, %mul3A_398 : vector<16xi32>
      %add3A_400 = arith.constant 0 : i32
      %add3A_401 = vector.broadcast %add3A_400 : i32 to vector<16xi32>
      %add3A_402 = arith.addi %mul3A_399, %add3A_401 : vector<16xi32>
      %mul3A_403 = arith.constant 10 : i32
      %mul3A_404 = vector.broadcast %mul3A_403 : i32 to vector<16xi32>
      %mul3A_405 = arith.muli %iota3A, %mul3A_404 : vector<16xi32>
      %add3A_406 = arith.constant 1 : i32
      %add3A_407 = vector.broadcast %add3A_406 : i32 to vector<16xi32>
      %add3A_408 = arith.addi %mul3A_405, %add3A_407 : vector<16xi32>
      %mul3A_409 = arith.constant 10 : i32
      %mul3A_410 = vector.broadcast %mul3A_409 : i32 to vector<16xi32>
      %mul3A_411 = arith.muli %iota3A, %mul3A_410 : vector<16xi32>
      %add3A_412 = arith.constant 2 : i32
      %add3A_413 = vector.broadcast %add3A_412 : i32 to vector<16xi32>
      %add3A_414 = arith.addi %mul3A_411, %add3A_413 : vector<16xi32>
      %mul3A_415 = arith.constant 10 : i32
      %mul3A_416 = vector.broadcast %mul3A_415 : i32 to vector<16xi32>
      %mul3A_417 = arith.muli %iota3A, %mul3A_416 : vector<16xi32>
      %add3A_418 = arith.constant 3 : i32
      %add3A_419 = vector.broadcast %add3A_418 : i32 to vector<16xi32>
      %add3A_420 = arith.addi %mul3A_417, %add3A_419 : vector<16xi32>
      %mul3A_421 = arith.constant 10 : i32
      %mul3A_422 = vector.broadcast %mul3A_421 : i32 to vector<16xi32>
      %mul3A_423 = arith.muli %iota3A, %mul3A_422 : vector<16xi32>
      %add3A_424 = arith.constant 4 : i32
      %add3A_425 = vector.broadcast %add3A_424 : i32 to vector<16xi32>
      %add3A_426 = arith.addi %mul3A_423, %add3A_425 : vector<16xi32>
      %mul3A_427 = arith.constant 10 : i32
      %mul3A_428 = vector.broadcast %mul3A_427 : i32 to vector<16xi32>
      %mul3A_429 = arith.muli %iota3A, %mul3A_428 : vector<16xi32>
      %add3A_430 = arith.constant 5 : i32
      %add3A_431 = vector.broadcast %add3A_430 : i32 to vector<16xi32>
      %add3A_432 = arith.addi %mul3A_429, %add3A_431 : vector<16xi32>
      %mul3A_433 = arith.constant 10 : i32
      %mul3A_434 = vector.broadcast %mul3A_433 : i32 to vector<16xi32>
      %mul3A_435 = arith.muli %iota3A, %mul3A_434 : vector<16xi32>
      %add3A_436 = arith.constant 6 : i32
      %add3A_437 = vector.broadcast %add3A_436 : i32 to vector<16xi32>
      %add3A_438 = arith.addi %mul3A_435, %add3A_437 : vector<16xi32>
      %mul3A_439 = arith.constant 10 : i32
      %mul3A_440 = vector.broadcast %mul3A_439 : i32 to vector<16xi32>
      %mul3A_441 = arith.muli %iota3A, %mul3A_440 : vector<16xi32>
      %add3A_442 = arith.constant 7 : i32
      %add3A_443 = vector.broadcast %add3A_442 : i32 to vector<16xi32>
      %add3A_444 = arith.addi %mul3A_441, %add3A_443 : vector<16xi32>
      %mul3A_445 = arith.constant 10 : i32
      %mul3A_446 = vector.broadcast %mul3A_445 : i32 to vector<16xi32>
      %mul3A_447 = arith.muli %iota3A, %mul3A_446 : vector<16xi32>
      %add3A_448 = arith.constant 8 : i32
      %add3A_449 = vector.broadcast %add3A_448 : i32 to vector<16xi32>
      %add3A_450 = arith.addi %mul3A_447, %add3A_449 : vector<16xi32>
      %mul3A_451 = arith.constant 10 : i32
      %mul3A_452 = vector.broadcast %mul3A_451 : i32 to vector<16xi32>
      %mul3A_453 = arith.muli %iota3A, %mul3A_452 : vector<16xi32>
      %add3A_454 = arith.constant 9 : i32
      %add3A_455 = vector.broadcast %add3A_454 : i32 to vector<16xi32>
      %add3A_456 = arith.addi %mul3A_453, %add3A_455 : vector<16xi32>
      %mul3A_457 = arith.constant 10 : i32
      %mul3A_458 = vector.broadcast %mul3A_457 : i32 to vector<16xi32>
      %mul3A_459 = arith.muli %iota3A, %mul3A_458 : vector<16xi32>
      %mul3A_460 = arith.constant 160 : i32
      %mul3A_461 = arith.muli %add3A_396, %mul3A_460 : i32
      %add3A_462 = arith.constant 0 : i32
      %add3A_463 = arith.addi %mul3A_461, %add3A_462 : i32
      %add3A_464 = vector.broadcast %add3A_463 : i32 to vector<16xi32>
      %add3A_465 = arith.addi %mul3A_459, %add3A_464 : vector<16xi32>
      %gather3A_466 = tpu.vector_load_idx %arg11[%add3A_465] : memref<5120xi32, #tpu.memory_space<vmem>>[vector<16xi32>], vector<16xi32>,
      %mul3A_467 = arith.constant 10 : i32
      %mul3A_468 = vector.broadcast %mul3A_467 : i32 to vector<16xi32>
      %mul3A_469 = arith.muli %iota3A, %mul3A_468 : vector<16xi32>
      %mul3A_470 = arith.constant 160 : i32
      %mul3A_471 = arith.muli %add3A_396, %mul3A_470 : i32
      %add3A_472 = arith.constant 1 : i32
      %add3A_473 = arith.addi %mul3A_471, %add3A_472 : i32
      %add3A_474 = vector.broadcast %add3A_473 : i32 to vector<16xi32>
      %add3A_475 = arith.addi %mul3A_469, %add3A_474 : vector<16xi32>
      %gather3A_476 = tpu.vector_load_idx %arg11[%add3A_475] : memref<5120xi32, #tpu.memory_space<vmem>>[vector<16xi32>], vector<16xi32>,
      %mul3A_477 = arith.constant 10 : i32
      %mul3A_478 = vector.broadcast %mul3A_477 : i32 to vector<16xi32>
      %mul3A_479 = arith.muli %iota3A, %mul3A_478 : vector<16xi32>
      %mul3A_480 = arith.constant 160 : i32
      %mul3A_481 = arith.muli %add3A_396, %mul3A_480 : i32
      %add3A_482 = arith.constant 2 : i32
      %add3A_483 = arith.addi %mul3A_481, %add3A_482 : i32
      %add3A_484 = vector.broadcast %add3A_483 : i32 to vector<16xi32>
      %add3A_485 = arith.addi %mul3A_479, %add3A_484 : vector<16xi32>
      %gather3A_486 = tpu.vector_load_idx %arg11[%add3A_485] : memref<5120xi32, #tpu.memory_space<vmem>>[vector<16xi32>], vector<16xi32>,
      %mul3A_487 = arith.constant 10 : i32
      %mul3A_488 = vector.broadcast %mul3A_487 : i32 to vector<16xi32>
      %mul3A_489 = arith.muli %iota3A, %mul3A_488 : vector<16xi32>
      %mul3A_490 = arith.constant 160 : i32
      %mul3A_491 = arith.muli %add3A_396, %mul3A_490 : i32
      %add3A_492 = arith.constant 3 : i32
      %add3A_493 = arith.addi %mul3A_491, %add3A_492 : i32
      %add3A_494 = vector.broadcast %add3A_493 : i32 to vector<16xi32>
      %add3A_495 = arith.addi %mul3A_489, %add3A_494 : vector<16xi32>
      %gather3A_496 = tpu.vector_load_idx %arg11[%add3A_495] : memref<5120xi32, #tpu.memory_space<vmem>>[vector<16xi32>], vector<16xi32>,
      %mul3A_497 = arith.constant 10 : i32
      %mul3A_498 = vector.broadcast %mul3A_497 : i32 to vector<16xi32>
      %mul3A_499 = arith.muli %iota3A, %mul3A_498 : vector<16xi32>
      %mul3A_500 = arith.constant 160 : i32
      %mul3A_501 = arith.muli %add3A_396, %mul3A_500 : i32
      %add3A_502 = arith.constant 4 : i32
      %add3A_503 = arith.addi %mul3A_501, %add3A_502 : i32
      %add3A_504 = vector.broadcast %add3A_503 : i32 to vector<16xi32>
      %add3A_505 = arith.addi %mul3A_499, %add3A_504 : vector<16xi32>
      %gather3A_506 = tpu.vector_load_idx %arg11[%add3A_505] : memref<5120xi32, #tpu.memory_space<vmem>>[vector<16xi32>], vector<16xi32>,
      %mul3A_507 = arith.constant 10 : i32
      %mul3A_508 = vector.broadcast %mul3A_507 : i32 to vector<16xi32>
      %mul3A_509 = arith.muli %iota3A, %mul3A_508 : vector<16xi32>
      %mul3A_510 = arith.constant 160 : i32
      %mul3A_511 = arith.muli %add3A_396, %mul3A_510 : i32
      %add3A_512 = arith.constant 5 : i32
      %add3A_513 = arith.addi %mul3A_511, %add3A_512 : i32
      %add3A_514 = vector.broadcast %add3A_513 : i32 to vector<16xi32>
      %add3A_515 = arith.addi %mul3A_509, %add3A_514 : vector<16xi32>
      %gather3A_516 = tpu.vector_load_idx %arg11[%add3A_515] : memref<5120xi32, #tpu.memory_space<vmem>>[vector<16xi32>], vector<16xi32>,
      %mul3A_517 = arith.constant 10 : i32
      %mul3A_518 = vector.broadcast %mul3A_517 : i32 to vector<16xi32>
      %mul3A_519 = arith.muli %iota3A, %mul3A_518 : vector<16xi32>
      %mul3A_520 = arith.constant 160 : i32
      %mul3A_521 = arith.muli %add3A_396, %mul3A_520 : i32
      %add3A_522 = arith.constant 6 : i32
      %add3A_523 = arith.addi %mul3A_521, %add3A_522 : i32
      %add3A_524 = vector.broadcast %add3A_523 : i32 to vector<16xi32>
      %add3A_525 = arith.addi %mul3A_519, %add3A_524 : vector<16xi32>
      %gather3A_526 = tpu.vector_load_idx %arg11[%add3A_525] : memref<5120xi32, #tpu.memory_space<vmem>>[vector<16xi32>], vector<16xi32>,
      %mul3A_527 = arith.constant 10 : i32
      %mul3A_528 = vector.broadcast %mul3A_527 : i32 to vector<16xi32>
      %mul3A_529 = arith.muli %iota3A, %mul3A_528 : vector<16xi32>
      %mul3A_530 = arith.constant 160 : i32
      %mul3A_531 = arith.muli %add3A_396, %mul3A_530 : i32
      %add3A_532 = arith.constant 7 : i32
      %add3A_533 = arith.addi %mul3A_531, %add3A_532 : i32
      %add3A_534 = vector.broadcast %add3A_533 : i32 to vector<16xi32>
      %add3A_535 = arith.addi %mul3A_529, %add3A_534 : vector<16xi32>
      %gather3A_536 = tpu.vector_load_idx %arg11[%add3A_535] : memref<5120xi32, #tpu.memory_space<vmem>>[vector<16xi32>], vector<16xi32>,
      %mul3A_537 = arith.constant 10 : i32
      %mul3A_538 = vector.broadcast %mul3A_537 : i32 to vector<16xi32>
      %mul3A_539 = arith.muli %iota3A, %mul3A_538 : vector<16xi32>
      %mul3A_540 = arith.constant 160 : i32
      %mul3A_541 = arith.muli %add3A_396, %mul3A_540 : i32
      %add3A_542 = arith.constant 8 : i32
      %add3A_543 = arith.addi %mul3A_541, %add3A_542 : i32
      %add3A_544 = vector.broadcast %add3A_543 : i32 to vector<16xi32>
      %add3A_545 = arith.addi %mul3A_539, %add3A_544 : vector<16xi32>
      %gather3A_546 = tpu.vector_load_idx %arg11[%add3A_545] : memref<5120xi32, #tpu.memory_space<vmem>>[vector<16xi32>], vector<16xi32>,
      %mul3A_547 = arith.constant 10 : i32
      %mul3A_548 = vector.broadcast %mul3A_547 : i32 to vector<16xi32>
      %mul3A_549 = arith.muli %iota3A, %mul3A_548 : vector<16xi32>
      %mul3A_550 = arith.constant 160 : i32
      %mul3A_551 = arith.muli %add3A_396, %mul3A_550 : i32
      %add3A_552 = arith.constant 9 : i32
      %add3A_553 = arith.addi %mul3A_551, %add3A_552 : i32
      %add3A_554 = vector.broadcast %add3A_553 : i32 to vector<16xi32>
      %add3A_555 = arith.addi %mul3A_549, %add3A_554 : vector<16xi32>
      %gather3A_556 = tpu.vector_load_idx %arg11[%add3A_555] : memref<5120xi32, #tpu.memory_space<vmem>>[vector<16xi32>], vector<16xi32>,
      %mul3A_557 = arith.constant 6 : i32
      %mul3A_558 = vector.broadcast %mul3A_557 : i32 to vector<16xi32>
      %mul3A_559 = arith.muli %iota3A, %mul3A_558 : vector<16xi32>
      %add3A_560 = arith.constant 0 : i32
      %add3A_561 = vector.broadcast %add3A_560 : i32 to vector<16xi32>
      %add3A_562 = arith.addi %mul3A_559, %add3A_561 : vector<16xi32>
      %mul3A_563 = arith.constant 6 : i32
      %mul3A_564 = vector.broadcast %mul3A_563 : i32 to vector<16xi32>
      %mul3A_565 = arith.muli %iota3A, %mul3A_564 : vector<16xi32>
      %add3A_566 = arith.constant 1 : i32
      %add3A_567 = vector.broadcast %add3A_566 : i32 to vector<16xi32>
      %add3A_568 = arith.addi %mul3A_565, %add3A_567 : vector<16xi32>
      %mul3A_569 = arith.constant 6 : i32
      %mul3A_570 = vector.broadcast %mul3A_569 : i32 to vector<16xi32>
      %mul3A_571 = arith.muli %iota3A, %mul3A_570 : vector<16xi32>
      %add3A_572 = arith.constant 2 : i32
      %add3A_573 = vector.broadcast %add3A_572 : i32 to vector<16xi32>
      %add3A_574 = arith.addi %mul3A_571, %add3A_573 : vector<16xi32>
      %mul3A_575 = arith.constant 6 : i32
      %mul3A_576 = vector.broadcast %mul3A_575 : i32 to vector<16xi32>
      %mul3A_577 = arith.muli %iota3A, %mul3A_576 : vector<16xi32>
      %add3A_578 = arith.constant 3 : i32
      %add3A_579 = vector.broadcast %add3A_578 : i32 to vector<16xi32>
      %add3A_580 = arith.addi %mul3A_577, %add3A_579 : vector<16xi32>
      %mul3A_581 = arith.constant 6 : i32
      %mul3A_582 = vector.broadcast %mul3A_581 : i32 to vector<16xi32>
      %mul3A_583 = arith.muli %iota3A, %mul3A_582 : vector<16xi32>
      %add3A_584 = arith.constant 4 : i32
      %add3A_585 = vector.broadcast %add3A_584 : i32 to vector<16xi32>
      %add3A_586 = arith.addi %mul3A_583, %add3A_585 : vector<16xi32>
      %mul3A_587 = arith.constant 6 : i32
      %mul3A_588 = vector.broadcast %mul3A_587 : i32 to vector<16xi32>
      %mul3A_589 = arith.muli %iota3A, %mul3A_588 : vector<16xi32>
      %add3A_590 = arith.constant 5 : i32
      %add3A_591 = vector.broadcast %add3A_590 : i32 to vector<16xi32>
      %add3A_592 = arith.addi %mul3A_589, %add3A_591 : vector<16xi32>
      %mul3A_593 = arith.constant 6 : i32
      %mul3A_594 = vector.broadcast %mul3A_593 : i32 to vector<16xi32>
      %mul3A_595 = arith.muli %iota3A, %mul3A_594 : vector<16xi32>
      %mul3A_596 = arith.constant 96 : i32
      %mul3A_597 = arith.muli %add3A_396, %mul3A_596 : i32
      %add3A_598 = arith.constant 0 : i32
      %add3A_599 = arith.addi %mul3A_597, %add3A_598 : i32
      %add3A_600 = vector.broadcast %add3A_599 : i32 to vector<16xi32>
      %add3A_601 = arith.addi %mul3A_595, %add3A_600 : vector<16xi32>
      %gather3A_602 = tpu.vector_load_idx %arg13[%add3A_601] : memref<3072xi32, #tpu.memory_space<vmem>>[vector<16xi32>], vector<16xi32>,
      %mul3A_603 = arith.constant 6 : i32
      %mul3A_604 = vector.broadcast %mul3A_603 : i32 to vector<16xi32>
      %mul3A_605 = arith.muli %iota3A, %mul3A_604 : vector<16xi32>
      %mul3A_606 = arith.constant 96 : i32
      %mul3A_607 = arith.muli %add3A_396, %mul3A_606 : i32
      %add3A_608 = arith.constant 1 : i32
      %add3A_609 = arith.addi %mul3A_607, %add3A_608 : i32
      %add3A_610 = vector.broadcast %add3A_609 : i32 to vector<16xi32>
      %add3A_611 = arith.addi %mul3A_605, %add3A_610 : vector<16xi32>
      %gather3A_612 = tpu.vector_load_idx %arg13[%add3A_611] : memref<3072xi32, #tpu.memory_space<vmem>>[vector<16xi32>], vector<16xi32>,
      %mul3A_613 = arith.constant 6 : i32
      %mul3A_614 = vector.broadcast %mul3A_613 : i32 to vector<16xi32>
      %mul3A_615 = arith.muli %iota3A, %mul3A_614 : vector<16xi32>
      %mul3A_616 = arith.constant 96 : i32
      %mul3A_617 = arith.muli %add3A_396, %mul3A_616 : i32
      %add3A_618 = arith.constant 2 : i32
      %add3A_619 = arith.addi %mul3A_617, %add3A_618 : i32
      %add3A_620 = vector.broadcast %add3A_619 : i32 to vector<16xi32>
      %add3A_621 = arith.addi %mul3A_615, %add3A_620 : vector<16xi32>
      %gather3A_622 = tpu.vector_load_idx %arg13[%add3A_621] : memref<3072xi32, #tpu.memory_space<vmem>>[vector<16xi32>], vector<16xi32>,
      %mul3A_623 = arith.constant 6 : i32
      %mul3A_624 = vector.broadcast %mul3A_623 : i32 to vector<16xi32>
      %mul3A_625 = arith.muli %iota3A, %mul3A_624 : vector<16xi32>
      %mul3A_626 = arith.constant 96 : i32
      %mul3A_627 = arith.muli %add3A_396, %mul3A_626 : i32
      %add3A_628 = arith.constant 3 : i32
      %add3A_629 = arith.addi %mul3A_627, %add3A_628 : i32
      %add3A_630 = vector.broadcast %add3A_629 : i32 to vector<16xi32>
      %add3A_631 = arith.addi %mul3A_625, %add3A_630 : vector<16xi32>
      %gather3A_632 = tpu.vector_load_idx %arg13[%add3A_631] : memref<3072xi32, #tpu.memory_space<vmem>>[vector<16xi32>], vector<16xi32>,
      %mul3A_633 = arith.constant 6 : i32
      %mul3A_634 = vector.broadcast %mul3A_633 : i32 to vector<16xi32>
      %mul3A_635 = arith.muli %iota3A, %mul3A_634 : vector<16xi32>
      %mul3A_636 = arith.constant 96 : i32
      %mul3A_637 = arith.muli %add3A_396, %mul3A_636 : i32
      %add3A_638 = arith.constant 4 : i32
      %add3A_639 = arith.addi %mul3A_637, %add3A_638 : i32
      %add3A_640 = vector.broadcast %add3A_639 : i32 to vector<16xi32>
      %add3A_641 = arith.addi %mul3A_635, %add3A_640 : vector<16xi32>
      %gather3A_642 = tpu.vector_load_idx %arg13[%add3A_641] : memref<3072xi32, #tpu.memory_space<vmem>>[vector<16xi32>], vector<16xi32>,
      %mul3A_643 = arith.constant 6 : i32
      %mul3A_644 = vector.broadcast %mul3A_643 : i32 to vector<16xi32>
      %mul3A_645 = arith.muli %iota3A, %mul3A_644 : vector<16xi32>
      %mul3A_646 = arith.constant 96 : i32
      %mul3A_647 = arith.muli %add3A_396, %mul3A_646 : i32
      %add3A_648 = arith.constant 5 : i32
      %add3A_649 = arith.addi %mul3A_647, %add3A_648 : i32
      %add3A_650 = vector.broadcast %add3A_649 : i32 to vector<16xi32>
      %add3A_651 = arith.addi %mul3A_645, %add3A_650 : vector<16xi32>
      %gather3A_652 = tpu.vector_load_idx %arg13[%add3A_651] : memref<3072xi32, #tpu.memory_space<vmem>>[vector<16xi32>], vector<16xi32>,
      %broadcast_in_dim3A_653 = arith.constant 0.000000e+00 : f32
      %broadcast_in_dim3A_654 = vector.broadcast %broadcast_in_dim3A_653 : f32 to vector<16xf32>
      %parallel_loop3A_655 = arith.constant 0 : i32
      %parallel_loop3A_656 = arith.constant 64 : i32
      %parallel_loop3A_657 = arith.constant 1 : i32
      %parallel_loop3A_658:6 = scf.for %parallel_loop3A_693 = %parallel_loop3A_655 to %parallel_loop3A_656 step %parallel_loop3A_657 iter_args(%parallel_loop3A_694 = %broadcast_in_dim3A_654, %parallel_loop3A_695 = %broadcast_in_dim3A_654, %parallel_loop3A_696 = %broadcast_in_dim3A_654, %parallel_loop3A_697 = %broadcast_in_dim3A_654, %parallel_loop3A_698 = %broadcast_in_dim3A_654, %parallel_loop3A_699 = %broadcast_in_dim3A_654) -> (vector<16xf32>, vector<16xf32>, vector<16xf32>, vector<16xf32>, vector<16xf32>, vector<16xf32>)  : i32 {
        %parallel_loop3A_700 = vector.broadcast %parallel_loop3A_693 : i32 to vector<16xi32>
        %parallel_loop3A_701 = arith.addi %parallel_loop3A_700, %iota3A : vector<16xi32>
        %parallel_loop3A_702 = arith.constant 63 : i32
        %parallel_loop3A_703 = vector.broadcast %parallel_loop3A_702 : i32 to vector<16xi32>
        %parallel_loop3A_704 = arith.andi %parallel_loop3A_701, %parallel_loop3A_703 : vector<16xi32>
        %parallel_loop3A_705 = arith.addi %gather3A_466, %parallel_loop3A_704 : vector<16xi32>
        %parallel_loop3A_706 = tpu.vector_load_idx %arg15[%add3A_402, %parallel_loop3A_705] : memref<160x128xf32, #tpu.memory_space<vmem>>[vector<16xi32>, vector<16xi32>], vector<16xf32>,
        %parallel_loop3A_707 = arith.addi %gather3A_476, %parallel_loop3A_704 : vector<16xi32>
        %parallel_loop3A_708 = tpu.vector_load_idx %arg15[%add3A_408, %parallel_loop3A_707] : memref<160x128xf32, #tpu.memory_space<vmem>>[vector<16xi32>, vector<16xi32>], vector<16xf32>,
        %parallel_loop3A_709 = arith.addi %gather3A_486, %parallel_loop3A_704 : vector<16xi32>
        %parallel_loop3A_710 = tpu.vector_load_idx %arg15[%add3A_414, %parallel_loop3A_709] : memref<160x128xf32, #tpu.memory_space<vmem>>[vector<16xi32>, vector<16xi32>], vector<16xf32>,
        %parallel_loop3A_711 = arith.addi %gather3A_496, %parallel_loop3A_704 : vector<16xi32>
        %parallel_loop3A_712 = tpu.vector_load_idx %arg15[%add3A_420, %parallel_loop3A_711] : memref<160x128xf32, #tpu.memory_space<vmem>>[vector<16xi32>, vector<16xi32>], vector<16xf32>,
        %parallel_loop3A_713 = arith.addi %gather3A_506, %parallel_loop3A_704 : vector<16xi32>
        %parallel_loop3A_714 = tpu.vector_load_idx %arg15[%add3A_426, %parallel_loop3A_713] : memref<160x128xf32, #tpu.memory_space<vmem>>[vector<16xi32>, vector<16xi32>], vector<16xf32>,
        %parallel_loop3A_715 = arith.addi %gather3A_516, %parallel_loop3A_704 : vector<16xi32>
        %parallel_loop3A_716 = tpu.vector_load_idx %arg15[%add3A_432, %parallel_loop3A_715] : memref<160x128xf32, #tpu.memory_space<vmem>>[vector<16xi32>, vector<16xi32>], vector<16xf32>,
        %parallel_loop3A_717 = arith.addi %gather3A_526, %parallel_loop3A_704 : vector<16xi32>
        %parallel_loop3A_718 = tpu.vector_load_idx %arg15[%add3A_438, %parallel_loop3A_717] : memref<160x128xf32, #tpu.memory_space<vmem>>[vector<16xi32>, vector<16xi32>], vector<16xf32>,
        %parallel_loop3A_719 = arith.addi %gather3A_536, %parallel_loop3A_704 : vector<16xi32>
        %parallel_loop3A_720 = tpu.vector_load_idx %arg15[%add3A_444, %parallel_loop3A_719] : memref<160x128xf32, #tpu.memory_space<vmem>>[vector<16xi32>, vector<16xi32>], vector<16xf32>,
        %parallel_loop3A_721 = arith.addi %gather3A_546, %parallel_loop3A_704 : vector<16xi32>
        %parallel_loop3A_722 = tpu.vector_load_idx %arg15[%add3A_450, %parallel_loop3A_721] : memref<160x128xf32, #tpu.memory_space<vmem>>[vector<16xi32>, vector<16xi32>], vector<16xf32>,
        %parallel_loop3A_723 = arith.addi %gather3A_556, %parallel_loop3A_704 : vector<16xi32>
        %parallel_loop3A_724 = tpu.vector_load_idx %arg15[%add3A_456, %parallel_loop3A_723] : memref<160x128xf32, #tpu.memory_space<vmem>>[vector<16xi32>, vector<16xi32>], vector<16xf32>,
        %parallel_loop3A_725 = arith.addf %parallel_loop3A_706, %parallel_loop3A_708 : vector<16xf32>
        %parallel_loop3A_726 = arith.addf %parallel_loop3A_710, %parallel_loop3A_712 : vector<16xf32>
        %parallel_loop3A_727 = arith.addf %parallel_loop3A_714, %parallel_loop3A_716 : vector<16xf32>
        %parallel_loop3A_728 = arith.addf %parallel_loop3A_718, %parallel_loop3A_720 : vector<16xf32>
        %parallel_loop3A_729 = arith.addf %parallel_loop3A_722, %parallel_loop3A_724 : vector<16xf32>
        %parallel_loop3A_730 = arith.addf %parallel_loop3A_725, %parallel_loop3A_726 : vector<16xf32>
        %parallel_loop3A_731 = arith.addf %parallel_loop3A_727, %parallel_loop3A_728 : vector<16xf32>
        %parallel_loop3A_732 = arith.addf %parallel_loop3A_730, %parallel_loop3A_731 : vector<16xf32>
        %parallel_loop3A_733 = arith.addf %parallel_loop3A_732, %parallel_loop3A_729 : vector<16xf32>
        %parallel_loop3A_734 = arith.constant 1.000000e-01 : f32
        %parallel_loop3A_735 = vector.broadcast %parallel_loop3A_734 : f32 to vector<16xf32>
        %parallel_loop3A_736 = arith.mulf %parallel_loop3A_733, %parallel_loop3A_735 : vector<16xf32>
        %parallel_loop3A_737 = arith.addi %gather3A_602, %parallel_loop3A_704 : vector<16xi32>
        %parallel_loop3A_738 = tpu.vector_load_idx %arg17[%add3A_562, %parallel_loop3A_737] : memref<96x128xf32, #tpu.memory_space<vmem>>[vector<16xi32>, vector<16xi32>], vector<16xf32>,
        %parallel_loop3A_739 = arith.mulf %parallel_loop3A_738, %parallel_loop3A_736 : vector<16xf32>
        %parallel_loop3A_740 = arith.addf %parallel_loop3A_694, %parallel_loop3A_739 : vector<16xf32>
        %parallel_loop3A_741 = arith.addi %gather3A_612, %parallel_loop3A_704 : vector<16xi32>
        %parallel_loop3A_742 = tpu.vector_load_idx %arg17[%add3A_568, %parallel_loop3A_741] : memref<96x128xf32, #tpu.memory_space<vmem>>[vector<16xi32>, vector<16xi32>], vector<16xf32>,
        %parallel_loop3A_743 = arith.mulf %parallel_loop3A_742, %parallel_loop3A_736 : vector<16xf32>
        %parallel_loop3A_744 = arith.addf %parallel_loop3A_695, %parallel_loop3A_743 : vector<16xf32>
        %parallel_loop3A_745 = arith.addi %gather3A_622, %parallel_loop3A_704 : vector<16xi32>
        %parallel_loop3A_746 = tpu.vector_load_idx %arg17[%add3A_574, %parallel_loop3A_745] : memref<96x128xf32, #tpu.memory_space<vmem>>[vector<16xi32>, vector<16xi32>], vector<16xf32>,
        %parallel_loop3A_747 = arith.mulf %parallel_loop3A_746, %parallel_loop3A_736 : vector<16xf32>
        %parallel_loop3A_748 = arith.addf %parallel_loop3A_696, %parallel_loop3A_747 : vector<16xf32>
        %parallel_loop3A_749 = arith.addi %gather3A_632, %parallel_loop3A_704 : vector<16xi32>
        %parallel_loop3A_750 = tpu.vector_load_idx %arg17[%add3A_580, %parallel_loop3A_749] : memref<96x128xf32, #tpu.memory_space<vmem>>[vector<16xi32>, vector<16xi32>], vector<16xf32>,
        %parallel_loop3A_751 = arith.mulf %parallel_loop3A_750, %parallel_loop3A_736 : vector<16xf32>
        %parallel_loop3A_752 = arith.addf %parallel_loop3A_697, %parallel_loop3A_751 : vector<16xf32>
        %parallel_loop3A_753 = arith.addi %gather3A_642, %parallel_loop3A_704 : vector<16xi32>
        %parallel_loop3A_754 = tpu.vector_load_idx %arg17[%add3A_586, %parallel_loop3A_753] : memref<96x128xf32, #tpu.memory_space<vmem>>[vector<16xi32>, vector<16xi32>], vector<16xf32>,
        %parallel_loop3A_755 = arith.mulf %parallel_loop3A_754, %parallel_loop3A_736 : vector<16xf32>
        %parallel_loop3A_756 = arith.addf %parallel_loop3A_698, %parallel_loop3A_755 : vector<16xf32>
        %parallel_loop3A_757 = arith.addi %gather3A_652, %parallel_loop3A_704 : vector<16xi32>
        %parallel_loop3A_758 = tpu.vector_load_idx %arg17[%add3A_592, %parallel_loop3A_757] : memref<96x128xf32, #tpu.memory_space<vmem>>[vector<16xi32>, vector<16xi32>], vector<16xf32>,
        %parallel_loop3A_759 = arith.mulf %parallel_loop3A_758, %parallel_loop3A_736 : vector<16xf32>
        %parallel_loop3A_760 = arith.addf %parallel_loop3A_699, %parallel_loop3A_759 : vector<16xf32>
        scf.yield %parallel_loop3A_740, %parallel_loop3A_744, %parallel_loop3A_748, %parallel_loop3A_752, %parallel_loop3A_756, %parallel_loop3A_760 : vector<16xf32>, vector<16xf32>, vector<16xf32>, vector<16xf32>, vector<16xf32>, vector<16xf32>
      } {sc.loop_unroll_factor = 4 : i64, sc.parallel_access}
      %mul3A_659 = arith.constant 16 : i32
      %mul3A_660 = arith.muli %add3A_396, %mul3A_659 : i32
      %add3A_661 = vector.broadcast %mul3A_660 : i32 to vector<16xi32>
      %add3A_662 = arith.addi %add3A_661, %iota3A : vector<16xi32>
      tpu.vector_store_idx %arg18[%add3A_662], %parallel_loop3A_658#0 : memref<512xf32, #tpu.memory_space<vmem>>[vector<16xi32>], vector<16xf32>,
      %mul3A_663 = arith.constant 16 : i32
      %mul3A_664 = arith.muli %add3A_396, %mul3A_663 : i32
      %add3A_665 = arith.constant 0 : i32
      %add3A_666 = arith.addi %add3A_665, %mul3A_664 : i32
      %add3A_667 = vector.broadcast %add3A_666 : i32 to vector<16xi32>
      %add3A_668 = arith.addi %add3A_667, %iota3A : vector<16xi32>
      tpu.vector_store_idx %arg19[%add3A_668], %parallel_loop3A_658#1 : memref<2560xf32, #tpu.memory_space<vmem>>[vector<16xi32>], vector<16xf32>,
      %mul3A_669 = arith.constant 16 : i32
      %mul3A_670 = arith.muli %add3A_396, %mul3A_669 : i32
      %add3A_671 = arith.constant 512 : i32
      %add3A_672 = arith.addi %add3A_671, %mul3A_670 : i32
      %add3A_673 = vector.broadcast %add3A_672 : i32 to vector<16xi32>
      %add3A_674 = arith.addi %add3A_673, %iota3A : vector<16xi32>
      tpu.vector_store_idx %arg19[%add3A_674], %parallel_loop3A_658#2 : memref<2560xf32, #tpu.memory_space<vmem>>[vector<16xi32>], vector<16xf32>,
      %mul3A_675 = arith.constant 16 : i32
      %mul3A_676 = arith.muli %add3A_396, %mul3A_675 : i32
      %add3A_677 = arith.constant 1024 : i32
      %add3A_678 = arith.addi %add3A_677, %mul3A_676 : i32
      %add3A_679 = vector.broadcast %add3A_678 : i32 to vector<16xi32>
      %add3A_680 = arith.addi %add3A_679, %iota3A : vector<16xi32>
      tpu.vector_store_idx %arg19[%add3A_680], %parallel_loop3A_658#3 : memref<2560xf32, #tpu.memory_space<vmem>>[vector<16xi32>], vector<16xf32>,
      %mul3A_681 = arith.constant 16 : i32
      %mul3A_682 = arith.muli %add3A_396, %mul3A_681 : i32
      %add3A_683 = arith.constant 1536 : i32
      %add3A_684 = arith.addi %add3A_683, %mul3A_682 : i32
      %add3A_685 = vector.broadcast %add3A_684 : i32 to vector<16xi32>
      %add3A_686 = arith.addi %add3A_685, %iota3A : vector<16xi32>
      tpu.vector_store_idx %arg19[%add3A_686], %parallel_loop3A_658#4 : memref<2560xf32, #tpu.memory_space<vmem>>[vector<16xi32>], vector<16xf32>,
      %mul3A_687 = arith.constant 16 : i32
      %mul3A_688 = arith.muli %add3A_396, %mul3A_687 : i32
      %add3A_689 = arith.constant 2048 : i32
      %add3A_690 = arith.addi %add3A_689, %mul3A_688 : i32
      %add3A_691 = vector.broadcast %add3A_690 : i32 to vector<16xi32>
      %add3A_692 = arith.addi %add3A_691, %iota3A : vector<16xi32>
      tpu.vector_store_idx %arg19[%add3A_692], %parallel_loop3A_658#5 : memref<2560xf32, #tpu.memory_space<vmem>>[vector<16xi32>], vector<16xf32>,
    }
    %scan3A_35 = arith.constant 16 : i32
    "tpu.region"() ({
      %run_scoped3A = tpu.sem_alloc : memref<!tpu.dma_semaphore, #tpu.memory_space<semaphore_mem>>
      %dma_start3A_46 = tpu.memref_slice %arg8[%mul3A_2] : memref<16384xf32, #tpu.memory_space<hbm>> -> memref<512xf32, #tpu.memory_space<hbm>>
      %dma_start3A_47 = tpu.memref_slice %arg8[%mul3A_2] : memref<16384xf32, #tpu.memory_space<hbm>> -> memref<512xf32, #tpu.memory_space<hbm>>
      tpu.enqueue_dma source(%arg18 : memref<512xf32, #tpu.memory_space<vmem>>) target(%dma_start3A_47 : memref<512xf32, #tpu.memory_space<hbm>>) target_semaphore(%run_scoped3A : memref<!tpu.dma_semaphore, #tpu.memory_space<semaphore_mem>>)
      %dma_wait3A = tpu.memref_slice %arg8[%mul3A_2] : memref<16384xf32, #tpu.memory_space<hbm>> -> memref<512xf32, #tpu.memory_space<hbm>>
      %dma_wait3A_48 = tpu.memref_slice %arg8[%mul3A_2] : memref<16384xf32, #tpu.memory_space<hbm>> -> memref<512xf32, #tpu.memory_space<hbm>>
      tpu.wait_dma2 semaphore(%run_scoped3A : memref<!tpu.dma_semaphore, #tpu.memory_space<semaphore_mem>>) src(%arg18 : memref<512xf32, #tpu.memory_space<vmem>>) dst(%dma_wait3A_48 : memref<512xf32, #tpu.memory_space<hbm>>)
      tpu.yield
    }) : () -> ()
    %add3A_36 = arith.constant 0 : i32
    %add3A_37 = arith.addi %add3A_36, %mul3A_2 : i32
    "tpu.region"() ({
      %run_scoped3A = tpu.sem_alloc : memref<!tpu.dma_semaphore, #tpu.memory_space<semaphore_mem>>
      %dma_start3A_46 = arith.constant 0 : i32
      %dma_start3A_47 = tpu.memref_slice %arg19[%dma_start3A_46] : memref<2560xf32, #tpu.memory_space<vmem>> -> memref<512xf32, #tpu.memory_space<vmem>>
      %dma_start3A_48 = tpu.memref_slice %arg9[%add3A_37] : memref<81920xf32, #tpu.memory_space<hbm>> -> memref<512xf32, #tpu.memory_space<hbm>>
      %dma_start3A_49 = tpu.memref_slice %arg9[%add3A_37] : memref<81920xf32, #tpu.memory_space<hbm>> -> memref<512xf32, #tpu.memory_space<hbm>>
      %dma_start3A_50 = arith.constant 0 : i32
      %dma_start3A_51 = tpu.memref_slice %arg19[%dma_start3A_50] : memref<2560xf32, #tpu.memory_space<vmem>> -> memref<512xf32, #tpu.memory_space<vmem>>
      tpu.enqueue_dma source(%dma_start3A_51 : memref<512xf32, #tpu.memory_space<vmem>>) target(%dma_start3A_49 : memref<512xf32, #tpu.memory_space<hbm>>) target_semaphore(%run_scoped3A : memref<!tpu.dma_semaphore, #tpu.memory_space<semaphore_mem>>)
      %dma_wait3A = arith.constant 0 : i32
      %dma_wait3A_52 = tpu.memref_slice %arg19[%dma_wait3A] : memref<2560xf32, #tpu.memory_space<vmem>> -> memref<512xf32, #tpu.memory_space<vmem>>
      %dma_wait3A_53 = tpu.memref_slice %arg9[%add3A_37] : memref<81920xf32, #tpu.memory_space<hbm>> -> memref<512xf32, #tpu.memory_space<hbm>>
      %dma_wait3A_54 = tpu.memref_slice %arg9[%add3A_37] : memref<81920xf32, #tpu.memory_space<hbm>> -> memref<512xf32, #tpu.memory_space<hbm>>
      %dma_wait3A_55 = arith.constant 0 : i32
      %dma_wait3A_56 = tpu.memref_slice %arg19[%dma_wait3A_55] : memref<2560xf32, #tpu.memory_space<vmem>> -> memref<512xf32, #tpu.memory_space<vmem>>
      tpu.wait_dma2 semaphore(%run_scoped3A : memref<!tpu.dma_semaphore, #tpu.memory_space<semaphore_mem>>) src(%dma_wait3A_56 : memref<512xf32, #tpu.memory_space<vmem>>) dst(%dma_wait3A_54 : memref<512xf32, #tpu.memory_space<hbm>>)
      tpu.yield
    }) : () -> ()
    %add3A_38 = arith.constant 16384 : i32
    %add3A_39 = arith.addi %add3A_38, %mul3A_2 : i32
    "tpu.region"() ({
      %run_scoped3A = tpu.sem_alloc : memref<!tpu.dma_semaphore, #tpu.memory_space<semaphore_mem>>
      %dma_start3A_46 = arith.constant 512 : i32
      %dma_start3A_47 = tpu.memref_slice %arg19[%dma_start3A_46] : memref<2560xf32, #tpu.memory_space<vmem>> -> memref<512xf32, #tpu.memory_space<vmem>>
      %dma_start3A_48 = tpu.memref_slice %arg9[%add3A_39] : memref<81920xf32, #tpu.memory_space<hbm>> -> memref<512xf32, #tpu.memory_space<hbm>>
      %dma_start3A_49 = tpu.memref_slice %arg9[%add3A_39] : memref<81920xf32, #tpu.memory_space<hbm>> -> memref<512xf32, #tpu.memory_space<hbm>>
      %dma_start3A_50 = arith.constant 512 : i32
      %dma_start3A_51 = tpu.memref_slice %arg19[%dma_start3A_50] : memref<2560xf32, #tpu.memory_space<vmem>> -> memref<512xf32, #tpu.memory_space<vmem>>
      tpu.enqueue_dma source(%dma_start3A_51 : memref<512xf32, #tpu.memory_space<vmem>>) target(%dma_start3A_49 : memref<512xf32, #tpu.memory_space<hbm>>) target_semaphore(%run_scoped3A : memref<!tpu.dma_semaphore, #tpu.memory_space<semaphore_mem>>)
      %dma_wait3A = arith.constant 512 : i32
      %dma_wait3A_52 = tpu.memref_slice %arg19[%dma_wait3A] : memref<2560xf32, #tpu.memory_space<vmem>> -> memref<512xf32, #tpu.memory_space<vmem>>
      %dma_wait3A_53 = tpu.memref_slice %arg9[%add3A_39] : memref<81920xf32, #tpu.memory_space<hbm>> -> memref<512xf32, #tpu.memory_space<hbm>>
      %dma_wait3A_54 = tpu.memref_slice %arg9[%add3A_39] : memref<81920xf32, #tpu.memory_space<hbm>> -> memref<512xf32, #tpu.memory_space<hbm>>
      %dma_wait3A_55 = arith.constant 512 : i32
      %dma_wait3A_56 = tpu.memref_slice %arg19[%dma_wait3A_55] : memref<2560xf32, #tpu.memory_space<vmem>> -> memref<512xf32, #tpu.memory_space<vmem>>
      tpu.wait_dma2 semaphore(%run_scoped3A : memref<!tpu.dma_semaphore, #tpu.memory_space<semaphore_mem>>) src(%dma_wait3A_56 : memref<512xf32, #tpu.memory_space<vmem>>) dst(%dma_wait3A_54 : memref<512xf32, #tpu.memory_space<hbm>>)
      tpu.yield
    }) : () -> ()
    %add3A_40 = arith.constant 32768 : i32
    %add3A_41 = arith.addi %add3A_40, %mul3A_2 : i32
    "tpu.region"() ({
      %run_scoped3A = tpu.sem_alloc : memref<!tpu.dma_semaphore, #tpu.memory_space<semaphore_mem>>
      %dma_start3A_46 = arith.constant 1024 : i32
      %dma_start3A_47 = tpu.memref_slice %arg19[%dma_start3A_46] : memref<2560xf32, #tpu.memory_space<vmem>> -> memref<512xf32, #tpu.memory_space<vmem>>
      %dma_start3A_48 = tpu.memref_slice %arg9[%add3A_41] : memref<81920xf32, #tpu.memory_space<hbm>> -> memref<512xf32, #tpu.memory_space<hbm>>
      %dma_start3A_49 = tpu.memref_slice %arg9[%add3A_41] : memref<81920xf32, #tpu.memory_space<hbm>> -> memref<512xf32, #tpu.memory_space<hbm>>
      %dma_start3A_50 = arith.constant 1024 : i32
      %dma_start3A_51 = tpu.memref_slice %arg19[%dma_start3A_50] : memref<2560xf32, #tpu.memory_space<vmem>> -> memref<512xf32, #tpu.memory_space<vmem>>
      tpu.enqueue_dma source(%dma_start3A_51 : memref<512xf32, #tpu.memory_space<vmem>>) target(%dma_start3A_49 : memref<512xf32, #tpu.memory_space<hbm>>) target_semaphore(%run_scoped3A : memref<!tpu.dma_semaphore, #tpu.memory_space<semaphore_mem>>)
      %dma_wait3A = arith.constant 1024 : i32
      %dma_wait3A_52 = tpu.memref_slice %arg19[%dma_wait3A] : memref<2560xf32, #tpu.memory_space<vmem>> -> memref<512xf32, #tpu.memory_space<vmem>>
      %dma_wait3A_53 = tpu.memref_slice %arg9[%add3A_41] : memref<81920xf32, #tpu.memory_space<hbm>> -> memref<512xf32, #tpu.memory_space<hbm>>
      %dma_wait3A_54 = tpu.memref_slice %arg9[%add3A_41] : memref<81920xf32, #tpu.memory_space<hbm>> -> memref<512xf32, #tpu.memory_space<hbm>>
      %dma_wait3A_55 = arith.constant 1024 : i32
      %dma_wait3A_56 = tpu.memref_slice %arg19[%dma_wait3A_55] : memref<2560xf32, #tpu.memory_space<vmem>> -> memref<512xf32, #tpu.memory_space<vmem>>
      tpu.wait_dma2 semaphore(%run_scoped3A : memref<!tpu.dma_semaphore, #tpu.memory_space<semaphore_mem>>) src(%dma_wait3A_56 : memref<512xf32, #tpu.memory_space<vmem>>) dst(%dma_wait3A_54 : memref<512xf32, #tpu.memory_space<hbm>>)
      tpu.yield
    }) : () -> ()
    %add3A_42 = arith.constant 49152 : i32
    %add3A_43 = arith.addi %add3A_42, %mul3A_2 : i32
    "tpu.region"() ({
      %run_scoped3A = tpu.sem_alloc : memref<!tpu.dma_semaphore, #tpu.memory_space<semaphore_mem>>
      %dma_start3A_46 = arith.constant 1536 : i32
      %dma_start3A_47 = tpu.memref_slice %arg19[%dma_start3A_46] : memref<2560xf32, #tpu.memory_space<vmem>> -> memref<512xf32, #tpu.memory_space<vmem>>
      %dma_start3A_48 = tpu.memref_slice %arg9[%add3A_43] : memref<81920xf32, #tpu.memory_space<hbm>> -> memref<512xf32, #tpu.memory_space<hbm>>
      %dma_start3A_49 = tpu.memref_slice %arg9[%add3A_43] : memref<81920xf32, #tpu.memory_space<hbm>> -> memref<512xf32, #tpu.memory_space<hbm>>
      %dma_start3A_50 = arith.constant 1536 : i32
      %dma_start3A_51 = tpu.memref_slice %arg19[%dma_start3A_50] : memref<2560xf32, #tpu.memory_space<vmem>> -> memref<512xf32, #tpu.memory_space<vmem>>
      tpu.enqueue_dma source(%dma_start3A_51 : memref<512xf32, #tpu.memory_space<vmem>>) target(%dma_start3A_49 : memref<512xf32, #tpu.memory_space<hbm>>) target_semaphore(%run_scoped3A : memref<!tpu.dma_semaphore, #tpu.memory_space<semaphore_mem>>)
      %dma_wait3A = arith.constant 1536 : i32
      %dma_wait3A_52 = tpu.memref_slice %arg19[%dma_wait3A] : memref<2560xf32, #tpu.memory_space<vmem>> -> memref<512xf32, #tpu.memory_space<vmem>>
      %dma_wait3A_53 = tpu.memref_slice %arg9[%add3A_43] : memref<81920xf32, #tpu.memory_space<hbm>> -> memref<512xf32, #tpu.memory_space<hbm>>
      %dma_wait3A_54 = tpu.memref_slice %arg9[%add3A_43] : memref<81920xf32, #tpu.memory_space<hbm>> -> memref<512xf32, #tpu.memory_space<hbm>>
      %dma_wait3A_55 = arith.constant 1536 : i32
      %dma_wait3A_56 = tpu.memref_slice %arg19[%dma_wait3A_55] : memref<2560xf32, #tpu.memory_space<vmem>> -> memref<512xf32, #tpu.memory_space<vmem>>
      tpu.wait_dma2 semaphore(%run_scoped3A : memref<!tpu.dma_semaphore, #tpu.memory_space<semaphore_mem>>) src(%dma_wait3A_56 : memref<512xf32, #tpu.memory_space<vmem>>) dst(%dma_wait3A_54 : memref<512xf32, #tpu.memory_space<hbm>>)
      tpu.yield
    }) : () -> ()
    %add3A_44 = arith.constant 65536 : i32
    %add3A_45 = arith.addi %add3A_44, %mul3A_2 : i32
    "tpu.region"() ({
      %run_scoped3A = tpu.sem_alloc : memref<!tpu.dma_semaphore, #tpu.memory_space<semaphore_mem>>
      %dma_start3A_46 = arith.constant 2048 : i32
      %dma_start3A_47 = tpu.memref_slice %arg19[%dma_start3A_46] : memref<2560xf32, #tpu.memory_space<vmem>> -> memref<512xf32, #tpu.memory_space<vmem>>
      %dma_start3A_48 = tpu.memref_slice %arg9[%add3A_45] : memref<81920xf32, #tpu.memory_space<hbm>> -> memref<512xf32, #tpu.memory_space<hbm>>
      %dma_start3A_49 = tpu.memref_slice %arg9[%add3A_45] : memref<81920xf32, #tpu.memory_space<hbm>> -> memref<512xf32, #tpu.memory_space<hbm>>
      %dma_start3A_50 = arith.constant 2048 : i32
      %dma_start3A_51 = tpu.memref_slice %arg19[%dma_start3A_50] : memref<2560xf32, #tpu.memory_space<vmem>> -> memref<512xf32, #tpu.memory_space<vmem>>
      tpu.enqueue_dma source(%dma_start3A_51 : memref<512xf32, #tpu.memory_space<vmem>>) target(%dma_start3A_49 : memref<512xf32, #tpu.memory_space<hbm>>) target_semaphore(%run_scoped3A : memref<!tpu.dma_semaphore, #tpu.memory_space<semaphore_mem>>)
      %dma_wait3A = arith.constant 2048 : i32
      %dma_wait3A_52 = tpu.memref_slice %arg19[%dma_wait3A] : memref<2560xf32, #tpu.memory_space<vmem>> -> memref<512xf32, #tpu.memory_space<vmem>>
      %dma_wait3A_53 = tpu.memref_slice %arg9[%add3A_45] : memref<81920xf32, #tpu.memory_space<hbm>> -> memref<512xf32, #tpu.memory_space<hbm>>
      %dma_wait3A_54 = tpu.memref_slice %arg9[%add3A_45] : memref<81920xf32, #tpu.memory_space<hbm>> -> memref<512xf32, #tpu.memory_space<hbm>>
      %dma_wait3A_55 = arith.constant 2048 : i32
      %dma_wait3A_56 = tpu.memref_slice %arg19[%dma_wait3A_55] : memref<2560xf32, #tpu.memory_space<vmem>> -> memref<512xf32, #tpu.memory_space<vmem>>
      tpu.wait_dma2 semaphore(%run_scoped3A : memref<!tpu.dma_semaphore, #tpu.memory_space<semaphore_mem>>) src(%dma_wait3A_56 : memref<512xf32, #tpu.memory_space<vmem>>) dst(%dma_wait3A_54 : memref<512xf32, #tpu.memory_space<hbm>>)
      tpu.yield
    }) : () -> ()
    return
  }
}

module attributes {stable_mosaic.version = 14 : i64} {
  func.func @_loss_body(%arg0: memref<128x128xf32, #tpu.memory_space<vmem>>, %arg1: memref<640x128xf32, #tpu.memory_space<vmem>>, %arg2: memref<1x1xf32, #tpu.memory_space<smem>>) attributes {dimension_semantics = [], scalar_prefetch = 0 : i64, scratch_operands = 0 : i64, tpu.core_type = #tpu.core_type<tc>} {
    %get3A = arith.constant 0 : index
    %get3A_0 = arith.constant 0 : index
    %get3A_1 = vector.load %arg0[%get3A, %get3A_0] : memref<128x128xf32, #tpu.memory_space<vmem>>, vector<128x128xf32>
    %neg3A = arith.constant 0.000000e+00 : f32
    %neg3A_2 = vector.broadcast %neg3A : f32 to vector<128x128xf32>
    %neg3A_3 = arith.subf %neg3A_2, %get3A_1 : vector<128x128xf32>
    %custom_jvp_call3A = arith.constant 0.000000e+00 : f32
    %max3A = vector.broadcast %custom_jvp_call3A : f32 to vector<128x128xf32>
    %max3A_4 = arith.maximumf %neg3A_3, %max3A : vector<128x128xf32>
    %sub3A = vector.broadcast %custom_jvp_call3A : f32 to vector<128x128xf32>
    %sub3A_5 = arith.subf %neg3A_3, %sub3A : vector<128x128xf32>
    %ne3A = arith.cmpf one, %sub3A_5, %sub3A_5 : vector<128x128xf32>
    %add3A = vector.broadcast %custom_jvp_call3A : f32 to vector<128x128xf32>
    %add3A_6 = arith.addf %neg3A_3, %add3A : vector<128x128xf32>
    %abs3A = math.absf %sub3A_5 : vector<128x128xf32>
    %neg3A_7 = arith.constant 0.000000e+00 : f32
    %neg3A_8 = vector.broadcast %neg3A_7 : f32 to vector<128x128xf32>
    %neg3A_9 = arith.subf %neg3A_8, %abs3A : vector<128x128xf32>
    %exp3A = math.exp %neg3A_9 : vector<128x128xf32>
    %log1p3A = math.log1p %exp3A : vector<128x128xf32>
    %add3A_10 = arith.addf %max3A_4, %log1p3A : vector<128x128xf32>
    %select_n3A = arith.select %ne3A, %add3A_6, %add3A_10 : vector<128x128xi1>, vector<128x128xf32>
    %neg3A_11 = arith.constant 0.000000e+00 : f32
    %neg3A_12 = vector.broadcast %neg3A_11 : f32 to vector<128x128xf32>
    %neg3A_13 = arith.subf %neg3A_12, %select_n3A : vector<128x128xf32>
    %reduce_sum3A = vector.shape_cast %neg3A_13 : vector<128x128xf32> to vector<1x128x128xf32>
    %reduce_sum3A_14 = arith.constant dense<0.000000e+00> : vector<1xf32>
    %reduce_sum3A_15 = vector.multi_reduction <add>, %reduce_sum3A, %reduce_sum3A_14 [1, 2] : vector<1x128x128xf32> to vector<1xf32>
    %reduce_sum3A_16 = vector.shape_cast %reduce_sum3A_15 : vector<1xf32> to vector<1x1x1xf32>
    %reduce_sum3A_17 = vector.extract %reduce_sum3A_16[0, 0, 0] : f32 from vector<1x1x1xf32>
    %get3A_18 = arith.constant 0 : index
    %get3A_19 = arith.constant 0 : index
    %get3A_20 = vector.load %arg1[%get3A_18, %get3A_19] : memref<640x128xf32, #tpu.memory_space<vmem>>, vector<640x128xf32>
    %neg3A_21 = arith.constant 0.000000e+00 : f32
    %neg3A_22 = vector.broadcast %neg3A_21 : f32 to vector<640x128xf32>
    %neg3A_23 = arith.subf %neg3A_22, %get3A_20 : vector<640x128xf32>
    %neg3A_24 = arith.constant 0.000000e+00 : f32
    %neg3A_25 = vector.broadcast %neg3A_24 : f32 to vector<640x128xf32>
    %neg3A_26 = arith.subf %neg3A_25, %neg3A_23 : vector<640x128xf32>
    %custom_jvp_call3A_27 = arith.constant 0.000000e+00 : f32
    %max3A_28 = vector.broadcast %custom_jvp_call3A_27 : f32 to vector<640x128xf32>
    %max3A_29 = arith.maximumf %neg3A_26, %max3A_28 : vector<640x128xf32>
    %sub3A_30 = vector.broadcast %custom_jvp_call3A_27 : f32 to vector<640x128xf32>
    %sub3A_31 = arith.subf %neg3A_26, %sub3A_30 : vector<640x128xf32>
    %ne3A_32 = arith.cmpf one, %sub3A_31, %sub3A_31 : vector<640x128xf32>
    %add3A_33 = vector.broadcast %custom_jvp_call3A_27 : f32 to vector<640x128xf32>
    %add3A_34 = arith.addf %neg3A_26, %add3A_33 : vector<640x128xf32>
    %abs3A_35 = math.absf %sub3A_31 : vector<640x128xf32>
    %neg3A_36 = arith.constant 0.000000e+00 : f32
    %neg3A_37 = vector.broadcast %neg3A_36 : f32 to vector<640x128xf32>
    %neg3A_38 = arith.subf %neg3A_37, %abs3A_35 : vector<640x128xf32>
    %exp3A_39 = math.exp %neg3A_38 : vector<640x128xf32>
    %log1p3A_40 = math.log1p %exp3A_39 : vector<640x128xf32>
    %add3A_41 = arith.addf %max3A_29, %log1p3A_40 : vector<640x128xf32>
    %select_n3A_42 = arith.select %ne3A_32, %add3A_34, %add3A_41 : vector<640x128xi1>, vector<640x128xf32>
    %neg3A_43 = arith.constant 0.000000e+00 : f32
    %neg3A_44 = vector.broadcast %neg3A_43 : f32 to vector<640x128xf32>
    %neg3A_45 = arith.subf %neg3A_44, %select_n3A_42 : vector<640x128xf32>
    %reduce_sum3A_46 = vector.shape_cast %neg3A_45 : vector<640x128xf32> to vector<1x640x128xf32>
    %reduce_sum3A_47 = arith.constant dense<0.000000e+00> : vector<1xf32>
    %reduce_sum3A_48 = vector.multi_reduction <add>, %reduce_sum3A_46, %reduce_sum3A_47 [1, 2] : vector<1x640x128xf32> to vector<1xf32>
    %reduce_sum3A_49 = vector.shape_cast %reduce_sum3A_48 : vector<1xf32> to vector<1x1x1xf32>
    %reduce_sum3A_50 = vector.extract %reduce_sum3A_49[0, 0, 0] : f32 from vector<1x1x1xf32>
    %add3A_51 = arith.addf %reduce_sum3A_17, %reduce_sum3A_50 : f32
    %neg3A_52 = arith.constant 0.000000e+00 : f32
    %neg3A_53 = arith.subf %neg3A_52, %add3A_51 : f32
    %div3A = arith.constant 1.638400e+04 : f32
    %div3A_54 = arith.divf %neg3A_53, %div3A : f32
    %swap3A = arith.constant 0 : index
    %swap3A_55 = arith.constant 0 : index
    %swap3A_56 = memref.load %arg2[%swap3A, %swap3A_55] : memref<1x1xf32, #tpu.memory_space<smem>>
    memref.store %div3A_54, %arg2[%swap3A, %swap3A_55] : memref<1x1xf32, #tpu.memory_space<smem>>
    return
  }
}

</mosaic_0001>

<sc_bundles>
// kernel: kernel.4.cloned.1.call-start
scs
__scs_entry_jumppad:
0x0: {  	(pc) =	sbr.rel $0x88, $3  }
0x1: {  	(tag) =	ssettag $0x0;
	lr =	simm.s32 $0x1  }
0x2: {  	[smem:$0x3F9C] =	sst lr;
	_ =	strace $0xD0000000  }
0x3: {  	_ = 	snop  }
0x4: {  	_ = 	snop  }
0x5: {  	_ = 	snop  }
0x6: {  	_ = 	snop  }
0x7: {  	_ = 	snop  }
__scs_overlays_trampoline_lowered:
0x8: {  	[smem:$0x3FAB] =	sst s0  }
0x9: {  	[smem:$0x3FAC] =	sst s1  }
0xa: {  	[smem:$0x3FAD] =	sst s2  }
0xb: {  	[smem:$0x3FAE] =	sst s3  }
0xc: {  	[smem:$0x3FAF] =	sst s4  }
0xd: {  	[smem:$0x3FB0] =	sst s5  }
0xe: {  	[smem:$0x3FB1] =	sst s6  }
0xf: {  	[smem:$0x3FB2] =	sst s7  }
0x10: {  	[smem:$0x3FB3] =	sst s8  }
0x11: {  	[smem:$0x3FB4] =	sst s9;
	s0 =	simm.s32 @!p0 $0x0  }
0x12: {  	s1 =	sld [smem:$0x3F9A];
	s0 =	simm.s32 @p0 $0x1  }
0x13: {  	[smem:$0x3FB5] =	sst s0;
	s0 =	simm.s32 @!p1 $0x0  }
0x14: {  	s2 =	sld [smem:$0x3F99];
	s0 =	simm.s32 @p1 $0x1  }
0x15: {  	[smem:$0x3FB6] =	sst s0;
	s0 =	simm.s32 @!p2 $0x0  }
0x16: {  	s3 =	sld [smem:$0x3FDB];
	s0 =	simm.s32 @p2 $0x1  }
0x17: {  	s4 =	simm.s32 $0x1BF5;
	[smem:$0x3FB8] =	sst s0  }
0x18: {  	s0 =	sld [smem:$0x3F9B];
	_ =	swait.ge [sflag:s4], $0x0  }
0x19: {  	s7 =	sld [smem:$0x3F9C]  }
0x1a: {  	s8 =	sadd.s32 $0xFFFFE003, lr  }
0x1b: {  	s9 =	sadd.s32 $0xFFFFFEF7, lr;
	s5 =	simm.s32 $0xFFFFFFFF;
	p2 =	slt.u32 s8, $0xFFFFF086  }
0x1c: {  	p1 =	slt.u32 s9, $0xF7A;
	s5 =	simm.s32 @!p2 $0x0  }
0x1d: {  	s5 =	simm.s32 @p1 $0x1;
	p0 =	seq.s32 s7, s2  }
0x1e: {  	s7 =	smul.u32 @!p0 $0xF7A, s2;
	p2 =	seq.s32 @!p0 s5, $0x0  }
0x1f: {  	s9 =	smul.u32 $0xF7A, s1;
	s8 =	simm.s32 @!p0 $0x1BF5;
	p2 =	por !p2, p0  }
0x20: {  	[sflag:s8] =	ssyncset.s32 @!p0 $0xFFFFF086;
	s6 =	sadd.s32 @!p0 s3, s7;
	s7 =	simm.s32 @!p0 $0x108  }
0x21: {  	s3 =	sadd.s32 s3, s9;
	s6 =	sadd.s32 @!p0 $0x88, s6;
	s7 =	simm.s32 @p2 $0x1082  }
0x22: {  	[simem:s7], [sflag:s8] =	dma.local @!p0 [hbm:s6], $0xF7A  }
0x23: {  	s9 =	sor.u32 $0xD0000000, s2;
	s6 =	simm.s32 $0x108;
	_ =	swait.ge @!p0 [sflag:s8], $0x0  }
0x24: {  	s3 =	sadd.s32 $0x88, s3;
	s6 =	simm.s32 @!p1 $0x1082;
	[sflag:s4] =	ssyncset.s32 $0xFFFFF086  }
0x25: {  	[simem:s6], [sflag:s4] =	dma.local [hbm:s3], $0xF7A  }
0x26: {  	[smem:$0x3F9C] =	sst s1;
	(tag) =	ssettag s2;
	_ =	strace s9  }
0x27: {  	s1 =	sld [smem:$0x3FAC]  }
0x28: {  	s2 =	sld [smem:$0x3FAD]  }
0x29: {  	s4 =	sld [smem:$0x3FAF]  }
0x2a: {  	p0 =	seq.s32 s5, $0x0;
	s5 =	sld [smem:$0x3FB0]  }
0x2b: {  	s6 =	sld [smem:$0x3FB1]  }
0x2c: {  	s7 =	sld [smem:$0x3FB2]  }
0x2d: {  	s3 =	simm.s32 $0x108;
	s8 =	sld [smem:$0x3FB3]  }
0x2e: {  	s3 =	simm.s32 @!p0 $0x1082;
	s9 =	sld [smem:$0x3FB4]  }
0x2f: {  	lr =	sadd.s32 s0, s3;
	s0 =	sld [smem:$0x3FAB]  }
0x30: {  	s3 =	sld [smem:$0x3FAE]  }
0x31: {  	[smem:$0x3FB7] =	sst s10  }
0x32: {  	s10 =	sld [smem:$0x3FB5];
	_ =	sdelay $0x3  }
0x33: {  	p0 =	seq.s32 s10, $0x1;
	s10 =	sld [smem:$0x3FB7];
	_ =	sdelay $0x3  }
0x34: {  	[smem:$0x3FB7] =	sst s10  }
0x35: {  	s10 =	sld [smem:$0x3FB6];
	_ =	sdelay $0x3  }
0x36: {  	p1 =	seq.s32 s10, $0x1;
	s10 =	sld [smem:$0x3FB7];
	_ =	sdelay $0x3  }
0x37: {  	[smem:$0x3FB7] =	sst s10  }
0x38: {  	s10 =	sld [smem:$0x3FB8]  }
0x39: {  	_ = 	snop;
	(pc) =	sbr.ind lr, $3  }
0x3a: {  	_ = 	snop  }
0x3b: {  	_ = 	snop  }
0x3c: {  	p2 =	seq.s32 s10, $0x1;
	s10 =	sld [smem:$0x3FB7]  }
0x3d: {  	_ =	shalt  }
0x3e: {  	_ =	shalt  }
0x3f: {  	_ =	shalt  }
0x40: {  	_ =	shalt  }
0x41: {  	_ =	shalt  }
0x42: {  	_ =	shalt  }
0x43: {  	_ =	shalt  }
0x44: {  	_ =	shalt  }
0x45: {  	_ =	shalt  }
0x46: {  	_ =	shalt  }
0x47: {  	_ =	shalt  }
0x48: {  	_ =	shalt  }
0x49: {  	_ =	shalt  }
0x4a: {  	_ =	shalt  }
0x4b: {  	_ =	shalt  }
0x4c: {  	_ =	shalt  }
0x4d: {  	_ =	shalt  }
0x4e: {  	_ =	shalt  }
0x4f: {  	_ =	shalt  }
0x50: {  	_ =	shalt  }
0x51: {  	_ =	shalt  }
0x52: {  	_ =	shalt  }
0x53: {  	_ =	shalt  }
0x54: {  	_ =	shalt  }
0x55: {  	_ =	shalt  }
0x56: {  	_ =	shalt  }
0x57: {  	_ =	shalt  }
0x58: {  	_ =	shalt  }
0x59: {  	_ =	shalt  }
0x5a: {  	_ =	shalt  }
0x5b: {  	_ =	shalt  }
0x5c: {  	_ =	shalt  }
0x5d: {  	_ =	shalt  }
0x5e: {  	_ =	shalt  }
0x5f: {  	_ =	shalt  }
0x60: {  	_ =	shalt  }
0x61: {  	_ =	shalt  }
0x62: {  	_ =	shalt  }
0x63: {  	_ =	shalt  }
0x64: {  	_ =	shalt  }
0x65: {  	_ =	shalt  }
0x66: {  	_ =	shalt  }
0x67: {  	_ =	shalt  }
0x68: {  	_ =	shalt  }
0x69: {  	_ =	shalt  }
0x6a: {  	_ =	shalt  }
0x6b: {  	_ =	shalt  }
0x6c: {  	_ =	shalt  }
0x6d: {  	_ =	shalt  }
0x6e: {  	_ =	shalt  }
0x6f: {  	_ =	shalt  }
0x70: {  	_ =	shalt  }
0x71: {  	_ =	shalt  }
0x72: {  	_ =	shalt  }
0x73: {  	_ =	shalt  }
0x74: {  	_ =	shalt  }
0x75: {  	_ =	shalt  }
0x76: {  	_ =	shalt  }
0x77: {  	_ =	shalt  }
0x78: {  	_ =	shalt  }
0x79: {  	_ =	shalt  }
0x7a: {  	_ =	shalt  }
0x7b: {  	_ =	shalt  }
0x7c: {  	_ =	shalt  }
0x7d: {  	_ =	shalt  }
0x7e: {  	_ =	shalt  }
0x7f: {  	_ =	shalt  }
0x80: {  	_ =	shalt  }
0x81: {  	_ =	shalt  }
0x82: {  	_ =	shalt  }
0x83: {  	_ =	shalt  }
0x84: {  	_ =	shalt  }
0x85: {  	_ =	shalt  }
0x86: {  	_ =	shalt  }
0x87: {  	_ =	shalt  }
.Lfunc_end0:
.L_simem_size_0:
called_computation_lowered:
.L_overlay_start_0:
0x88: {  	s2 =	sld [smem:$0x3FD9]  }
0x89: {  	s3 =	sld [smem:$0x3FFE];
	_ =	sdelay $0x1  }
0x8a: {  	s1 =	srdreg.scid  }
0x8b: {  	s0 =	sand.u32 $0x1, s1  }
0x8c: {  	s16 =	sshll.u32 s0, $0xA;
	s2 =	sadd.s32 s3, s2  }
0x8d: {  	s2 =	sadd.s32 s2, s16  }
0x8e: {  	[smem:$0x3FC3] =	sst s2  }
0x8f: {  	_ = 	snop  }
0x90: {  	(tm) =	ssettm $0x1  }
0x91: {  	s17 =	sld [smem:$0x3FFB];
	_ =	sdelay $0x3  }
0x92: {  	_ =	strace s17  }
0x93: {  	s2 =	sld [smem:$0x3FFC];
	_ =	sdelay $0x3  }
0x94: {  	_ =	strace s2  }
0x95: {  	s2 =	sld [smem:$0x3FFD];
	_ =	sdelay $0x3  }
0x96: {  	_ =	strace s2  }
0x97: {  	_ =	strace $0x8FFFFFFF  }
0x98: {  	s18 =	sld [smem:$0x3FDB];
	_ =	sdelay $0x1  }
0x99: {  	s19 =	simm.s32 $_scs_section_size  }
0x9a: {  	s4 =	simm.s32 $_size__tile_overlayer_lowered;
	s5 =	simm.s32 $_tile_overlayer_lowered  }
0x9b: {  	s22 =	simm.s32 $0x1BFF;
	s21 =	sshll.u32 s5, $0x1;
	s2 =	sadd.s32 s19, s18  }
0x9c: {  	s6 =	simm.s32 $0x0;
	s20 =	sshll.u32 s4, $0x1;
	s4 =	sadd.s32 s21, s2  }
0x9d: {  	[timem:s6], [sflag:s22] =	dma.local [hbm:s4], s20  }
0x9e: {  	_ =	swait.ge [sflag:s22], s20  }
0x9f: {  	s3 =	ssub.s32 $0x0, s20;
	[sflag:s22] =	ssyncset.done $0x0  }
0xa0: {  	[sflag:s22] =	ssyncadd.s32 s3;
	_ =	sdelay $0x1  }
0xa1: {  	s23 =	simm.s32 $0x1B8B  }
0xa2: {  	_ =	swait.ge [sflag:s23], $0x1  }
0xa3: {  	[sflag:s23] =	ssyncset.done $0x0  }
0xa4: {  	s25 =	simm.s32 $0x1B8E;
	s24 =	sld [smem:$0x3FFE];
	[sflag:s23] =	ssyncadd.s32 $0xFFFFFFFF  }
0xa5: {  	s26 =	simm.s32 $execute0_lowered;
	[smem:$0x3FD2] =	sst s25  }
0xa6: {  	s4 =	sshll.u32 s26, $0x1;
	_ =	strace $0x80000046;
	[dreg:$0x1] =	wrdreg $0xFFFFFFFF  }
0xa7: {  	s28 =	simm.s32 $_size_execute0_lowered;
	s2 =	sadd.s32 s2, s4;
	[dreg:$0x0] =	wrdreg $0x0  }
0xa8: {  	s4 =	sshll.u32 s28, $0x1;
	[dreg:$0x2] =	wrdreg s2  }
0xa9: {  	[dreg:$0x3] =	wrdreg s4  }
0xaa: {  	[dreg:$0x4] =	wrdreg $0xC0  }
0xab: {  	_ =	task [dreg:s6], $0x5FFFF  }
0xac: {  	[dreg:$0x1] =	wrdreg $0xFFFFFFFF  }
0xad: {  	[dreg:$0x0] =	wrdreg $0x60  }
0xae: {  	[dreg:$0x2] =	wrdreg s24  }
0xaf: {  	[dreg:$0x3] =	wrdreg $0x9  }
0xb0: {  	_ =	task.clear_ibuf [dreg:s6], $0x4FFFF;
	_ =	strace $0x90000046  }
0xb1: {  	s29 =	simm.s32 $0x9;
	_ =	strace $0x80000048  }
0xb2: {  	_ =	swait.ge [sflag:s29], $0x1  }
0xb3: {  	[sflag:s29] =	ssyncadd.s32 $0xFFFFFFFF  }
0xb4: {  	_ =	strace $0x90000048  }
0xb5: {  	_ =	sfence  }
0xb6: {  	s30 =	sld [smem:$0x0];
	_ =	sdelay $0x2  }
0xb7: {  	s31 =	sshll.u32 s1, $0xD;
	s1 =	sshrl.u32 s1, $0x2  }
0xb8: {  	s3 =	sand.u32 $0x4000, s31;
	s1 =	sadd.s32 s1, s30  }
0xb9: {  	s0 =	sor.u32 s3, s0;
	s1 =	sshll.u32 s1, $0x11  }
0xba: {  	s0 =	sor.u32 s1, s0  }
0xbb: {  	s0 =	sadd.s32 $0x8F2B, s0  }
0xbc: {  	[sflag:s0] =	ssyncadd.remote.s32 $0x1  }
0xbd: {  	_ =	sfence.sel $0xFFFF  }
0xbe: {  	[dreg:$0x0] =	wrdreg $0xFFFFFFFF;
	(pc) =	sbr.abs _section_cstart, $3  }
0xbf: {  	[dreg:$0x1] =	wrdreg $0xFFFFFFFF  }
0xc0: {  	_ =	task.clear_ibuf [dreg:s6], $0x2FFFF;
	_ =	strace $0x9FFFFFFF  }
0xc1: {  	(tm) =	ssettm $0x7FFFFFFF  }
tec
execute0_lowered:
.L_overlay_start_1:
0x0: {  	(tag) =	ssettag $0x1  }
0x1: {  	v1 =	vlaneseq.u32  }
0x2: {  	s2 =	simm.s32 $0x0;
	v0 =	vmul.u32 $0xA, v1  }
0x3: {  	[smem:$0x7FF] =	sst s2;
	v59 =	vmul.u32 $0x6, v1  }
0x4: {  	s5 =	rddreg [dreg:$0x0];
	v29 =	vmul.u32 $0x500, v1;
	v1 =	vmul.u32 $0x300, v1;
	_ =	strace $0x80000047;
	[tilespmem:$0x1FEE0] =	vst v0  }
0x5: {  	s0 =	srdreg.scid;
	s1 =	stileid.u32;
	[tilespmem:$0x1FEF0] =	vst v59  }
0x6: {  	s16 =	simm.s32 $0x3;
	s17 =	simm.s32 $0x1400;
	s19 =	simm.s32 $0x3400;
	[tilespmem:$0x1FF90] =	vst v1  }
0x7: {  	s28 =	simm.s32 $0xD000;
	s0 =	sand.u32 $0x1, s0;
	s1 =	sshll.u32 s1, $0x1;
	v60 =	vadd.s32 $0x200, v1;
	[tilespmem:$0x1FFF0] =	vst v29  }
0x8: {  	s29 =	simm.s32 $0x11000;
	s30 =	simm.s32 $0x1;
	s1 =	sor.u32 s0, s1;
	v62 =	vadd.s32 $0x280, v1;
	[tilespmem:$0x1FF00] =	vst v60  }
0x9: {  	s31 =	simm.s32 $0x14000;
	s0 =	ssub.s32 $0x2, s0;
	s3 =	smul.u32 $0x280, s1;
	v42 =	vadd.s32 $0x400, v29;
	[tilespmem:$0x1FF10] =	vst v62  }
0xa: {  	s4 =	smul.u32 $0x180, s1;
	s1 =	sshll.u32 s1, $0x6;
	s24 =	sshrl.u32 s0, $0x1;
	v27 =	vadd.s32 $0x480, v29;
	[tilespmem:$0x1FF20] =	vst v42  }
0xb: {  	v9 =	vadd.s32 $0x180, v29;
	s1 =	sadd.s32 s1, s5;
	s0 =	ssub.s32 s0, s24;
	[tilespmem:$0x1FF30] =	vst v27;
	s6 =	sadd.s32 s3, s5  }
0xc: {  	v10 =	vadd.s32 $0x200, v29;
	[tilespmem:$0x1FF40] =	vst v9;
	s7 =	sadd.s32 s4, s5;
	s3 =	sadd.s32 $0x1E85A00, s5;
	s4 =	sadd.s32 $0x1200, s5  }
0xd: {  	v34 =	vadd.s32 $0x280, v29;
	s24 =	simm.s32 $0x60;
	[tilespmem:$0x1FF50] =	vst v10;
	s23 =	sadd.s32 $0xF55E00, s1;
	s25 =	sadd.s32 $0xF53600, s1  }
0xe: {  	v38 =	vadd.s32 $0x300, v29;
	[tilespmem:$0x1FF60] =	vst v34;
	s26 =	sadd.s32 $0xF53E00, s1;
	s12 =	sadd.s32 $0xF54600, s1;
	[dreg:$0x6] =	wrdreg s23  }
0xf: {  	v40 =	vadd.s32 $0x380, v29;
	[tilespmem:$0x1FF70] =	vst v38;
	s13 =	sadd.s32 $0xF54E00, s1;
	s14 =	sadd.s32 $0xF55600, s1;
	[dreg:$0x7] =	wrdreg s25  }
0x10: {  	v63 =	vor.u32 $0x80, v1;
	[tilespmem:$0x1FF80] =	vst v40;
	s15 =	smax.u32 s0, $0x1;
	s8 =	sadd.s32 $0xF46600, s6;
	[dreg:$0x8] =	wrdreg s26  }
0x11: {  	v3 =	vadd.s32 $0x100, v1;
	[tilespmem:$0x1FFA0] =	vst v63;
	s1 =	simm.s32 $0x14200;
	s20 =	sadd.s32 $0xF4B600, s6;
	[dreg:$0x2] =	wrdreg s8  }
0x12: {  	v2 =	vadd.s32 $0x180, v1;
	[tilespmem:$0x1FFB0] =	vst v3;
	s0 =	simm.s32 $0x2;
	s21 =	sadd.s32 $0xF43600, s7;
	[dreg:$0x3] =	wrdreg s20  }
0x13: {  	v61 =	vadd.s32 $0x100, v29;
	[tilespmem:$0x1FFC0] =	vst v2;
	s22 =	sadd.s32 $0xF50600, s7;
	s25 =	simm.s32 $0xE000;
	[dreg:$0x4] =	wrdreg s21  }
0x14: {  	v51 =	vor.u32 $0x80, v29;
	[tilespmem:$0x1FFD0] =	vst v61;
	s26 =	simm.s32 $0x9000;
	s23 =	simm.s32 $0x0;
	[dreg:$0x5] =	wrdreg s22  }
0x15: {  	[tilespmem:$0x1FFE0] =	vst v51;
	s20 =	simm.s32 $0x80;
	s21 =	simm.s32 $0x4000;
	s22 =	simm.s32 $0x20  }
.LBB2_1:
0x16: {  	s5 =	rddreg [dreg:$0x2]  }
0x17: {  	[tilespmem:s2], [sflag:$0x3] =	stream.linear.gather [hbm4b:s5+s2], $0x1400, $0x38;
	[tilespmem:$0x14C00] =	vst v63  }
0x18: {  	_ =	swait.ge [sflag:s16], $0x1400  }
0x19: {  	[sflag:s16] =	ssyncset.done $0x0  }
0x1a: {  	s9 =	rddreg [dreg:$0x3];
	[sflag:s16] =	ssyncadd.s32 $0xFFFFEC00  }
0x1b: {  	[tilespmem:s17], [sflag:$0x3] =	stream.linear.gather [hbm4b:s9+s2], $0x1400, $0x38;
	[tilespmem:$0x14C00] =	vst v63  }
0x1c: {  	_ =	swait.ge [sflag:s16], $0x1400  }
0x1d: {  	[sflag:s16] =	ssyncset.done $0x0  }
0x1e: {  	s6 =	simm.s32 $0x2800;
	s10 =	rddreg [dreg:$0x4];
	[sflag:s16] =	ssyncadd.s32 $0xFFFFEC00  }
0x1f: {  	[tilespmem:s6], [sflag:$0x3] =	stream.linear.gather [hbm4b:s10+s2], $0xC00, $0x38;
	[tilespmem:$0x14C00] =	vst v63  }
0x20: {  	_ =	swait.ge [sflag:s16], $0xC00  }
0x21: {  	[sflag:s16] =	ssyncset.done $0x0  }
0x22: {  	s11 =	rddreg [dreg:$0x5];
	[sflag:s16] =	ssyncadd.s32 $0xFFFFF400  }
0x23: {  	[tilespmem:s19], [sflag:$0x3] =	stream.linear.gather [hbm4b:s11+s2], $0xC00, $0x38;
	[tilespmem:$0x14C00] =	vst v63  }
0x24: {  	_ =	swait.ge [sflag:s16], $0xC00  }
0x25: {  	[sflag:s16] =	ssyncset.done $0x0  }
0x26: {  	[sflag:s16] =	ssyncadd.s32 $0xFFFFF400  }
0x27: {  	[tilespmem:s21], [sflag:$0x1] =	stream.indirect.gather [hbm4b:s3+s20], $0x80, s2, s20, $0xb8;
	[tilespmem:$0x14C00] =	vst v63  }
0x28: {  	s18 =	simm.s32 $0x8000  }
0x29: {  	[tilespmem:s18], [sflag:$0x1] =	stream.indirect.gather [hbm4b:s3+s22], $0x80, s20, s22, $0xb8;
	[tilespmem:$0x14C00] =	vst v63  }
0x2a: {  	s18 =	simm.s32 $0x0  }
0x2b: {  	[tilespmem:s25], [sflag:$0x1] =	stream.indirect.gather [hbm4b:s4+s24], $0x80, s6, s24, $0xb8;
	[tilespmem:$0x14C00] =	vst v63  }
.LBB2_2:
0x2c: {  	s5 =	sshllo.u32 s18, $0x1  }
0x2d: {  	s7 =	smul.u32 $0xA0, s5;
	_ =	sdelay $0x1  }
0x2e: {  	[tilespmem:s26], [sflag:$0x2] =	stream.indirect.gather [hbm4b:s3+s20], $0x80, s7, s20, $0xb8;
	[tilespmem:$0x14C00] =	vst v63  }
0x2f: {  	s6 =	smul.u32 $0x60, s5;
	s8 =	sadd.s32 $0x80, s7  }
0x30: {  	[tilespmem:s28], [sflag:$0x2] =	stream.indirect.gather [hbm4b:s3+s22], $0x80, s8, s22, $0xb8;
	[tilespmem:$0x14C00] =	vst v63  }
0x31: {  	s10 =	sadd.s32 $0x2800, s6  }
0x32: {  	[tilespmem:s29], [sflag:$0x2] =	stream.indirect.gather [hbm4b:s4+s24], $0x80, s10, s24, $0xb8;
	[tilespmem:$0x14C00] =	vst v63  }
0x33: {  	_ =	swait.ge [sflag:s30], $0x5000  }
0x34: {  	v5 =	vld [tilespmem:$0x1FEE0];
	_ =	sdelay $0x2  }
0x35: {  	s8 =	smul.u32 $0x140, s18;
	_ =	sdelay $0x1  }
0x36: {  	s9 =	sor.u32 $0x1, s8;
	[sflag:s30] =	ssyncset.done $0x0;
	v0 =	vadd.s32 s8, v5  }
0x37: {  	s11 =	sor.u32 $0x2, s8;
	[sflag:s30] =	ssyncadd.s32 $0xFFFFB000;
	v1 =	vadd.s32 s9, v5  }
0x38: {  	s10 =	sor.u32 $0x3, s8;
	_ =	swait.ge [sflag:s30], $0x3000;
	v2 =	vadd.s32 s11, v5  }
0x39: {  	[sflag:s30] =	ssyncset.done $0x0;
	v3 =	vadd.s32 s10, v5;
	s11 =	sor.u32 $0x4, s8  }
0x3a: {  	v6 =	vld [tilespmem:$0x1FEF0];
	[sflag:s30] =	ssyncadd.s32 $0xFFFFD000;
	s10 =	sor.u32 $0x8, s8;
	v4 =	vadd.s32 s11, v5  }
0x3b: {  	s11 =	sor.u32 $0x9, s8;
	v49 =	vld.idx.msk [tilespmem:v0+s17+$0x0], $0xffff;
	v0 =	vadd.s32 s10, v5  }
0x3c: {  	v54 =	vld.idx.msk [tilespmem:v1+s17+$0x0], $0xffff;
	s10 =	sor.u32 $0x5, s8;
	v1 =	vadd.s32 s11, v5  }
0x3d: {  	v62 =	vld.idx.msk [tilespmem:v2+s17+$0x0], $0xffff;
	v2 =	vadd.s32 s10, v5;
	s10 =	sor.u32 $0x6, s8  }
0x3e: {  	s9 =	smul.u32 $0xC0, s18;
	v50 =	vld.idx.msk [tilespmem:v3+s17+$0x0], $0xffff;
	s8 =	sor.u32 $0x7, s8;
	v3 =	vadd.s32 s10, v5  }
0x3f: {  	v26 =	vld.idx.msk [tilespmem:v4+s17+$0x0], $0xffff;
	v4 =	vadd.s32 s8, v5  }
0x40: {  	s11 =	sor.u32 $0x1, s9;
	v17 =	vld.idx.msk [tilespmem:v0+s17+$0x0], $0xffff;
	v0 =	vadd.s32 s9, v6  }
0x41: {  	s10 =	sor.u32 $0x2, s9;
	v19 =	vld.idx.msk [tilespmem:v1+s17+$0x0], $0xffff;
	v1 =	vadd.s32 s11, v6  }
0x42: {  	v14 =	vlaneseq.u32;
	s11 =	sor.u32 $0x3, s9;
	v60 =	vld.idx.msk [tilespmem:v2+s17+$0x0], $0xffff;
	v2 =	vadd.s32 s10, v6;
	s10 =	simm.s32 $0x0  }
0x43: {  	v45 =	vld.idx.msk [tilespmem:v3+s17+$0x0], $0xffff;
	v3 =	vadd.s32 s11, v6;
	s11 =	sor.u32 $0x4, s9;
	v5 =	vadd.s32 s10, v14  }
0x44: {  	v43 =	vld.idx.msk [tilespmem:v4+s17+$0x0], $0xffff;
	v4 =	vadd.s32 s11, v6;
	s11 =	sor.u32 $0x5, s9;
	v5 =	vand.u32 $0x3F, v5  }
0x45: {  	v36 =	vld.idx.msk [tilespmem:v0+s19+$0x0], $0xffff;
	v0 =	vadd.s32 s11, v6;
	v6 =	vadd.s32 v17, v5  }
0x46: {  	v53 =	vld.idx.msk [tilespmem:v1+s19+$0x0], $0xffff;
	v1 =	vadd.s32 v42, v6;
	_ =	sdelay $0x4  }
0x47: {  	v6 =	vadd.s32 v19, v5;
	v1 =	vld.idx.msk [tilespmem:v1+s21+$0x0], $0xffff  }
0x48: {  	v57 =	vld.idx.msk [tilespmem:v2+s19+$0x0], $0xffff;
	v2 =	vadd.s32 v27, v6;
	_ =	sdelay $0x2  }
0x49: {  	v7 =	vadd.s32 v49, v5  }
0x4a: {  	v6 =	vadd.s32 v29, v7;
	v7 =	vadd.s32 v54, v5;
	v56 =	vld.idx.msk [tilespmem:v3+s19+$0x0], $0xffff;
	[tilespmem:$0x1FD90] =	vst v1  }
0x4b: {  	v3 =	vadd.s32 v51, v7;
	v7 =	vadd.s32 v62, v5;
	v1 =	vld.idx.msk [tilespmem:v2+s21+$0x0], $0xffff  }
0x4c: {  	v32 =	vld.idx.msk [tilespmem:v4+s19+$0x0], $0xffff;
	v4 =	vadd.s32 v61, v7;
	_ =	sdelay $0x3  }
0x4d: {  	[tilespmem:$0x1FDA0] =	vst v1  }
0x4e: {  	v8 =	vadd.s32 v50, v5;
	v1 =	vld.idx.msk [tilespmem:v4+s21+$0x0], $0xffff  }
0x4f: {  	v7 =	vadd.s32 v9, v8;
	v8 =	vadd.s32 v26, v5  }
0x50: {  	v28 =	vld.idx.msk [tilespmem:v0+s19+$0x0], $0xffff;
	v0 =	vadd.s32 v10, v8;
	_ =	sdelay $0x1  }
0x51: {  	s10 =	simm.s32 $0x2;
	v6 =	vld.idx.msk [tilespmem:v6+s21+$0x0], $0xffff  }
0x52: {  	v12 =	vadd.s32 s10, v14;
	v3 =	vld.idx.msk [tilespmem:v3+s21+$0x0], $0xffff;
	[tilespmem:$0x1FDB0] =	vst v1  }
0x53: {  	v15 =	vand.u32 $0x3F, v12;
	v1 =	vld.idx.msk [tilespmem:v7+s21+$0x0], $0xffff;
	[tilespmem:$0x1FD20] =	vst v17  }
0x54: {  	s9 =	simm.s32 $0x3;
	v16 =	vadd.s32 v17, v15;
	v8 =	vadd.s32 v60, v5;
	v0 =	vld.idx.msk [tilespmem:v0+s21+$0x0], $0xffff  }
0x55: {  	v31 =	vmovc v9;
	v33 =	vmovc v10;
	v9 =	vadd.s32 v45, v5;
	v10 =	vadd.s32 s9, v14;
	v8 =	vadd.s32 v34, v8  }
0x56: {  	s11 =	simm.s32 $0x1;
	v11 =	vadd.s32 v43, v5;
	v9 =	vadd.s32 v38, v9;
	v10 =	vand.u32 $0x3F, v10  }
0x57: {  	v11 =	vadd.s32 v40, v11;
	v14 =	vadd.s32 s11, v14;
	v13 =	vadd.s32 v17, v10  }
0x58: {  	v18 =	vand.u32 $0x3F, v14;
	v12 =	vadd.s32 v42, v13;
	v13 =	vadd.s32 v19, v10;
	[tilespmem:$0x1FD30] =	vst v19  }
0x59: {  	v14 =	vadd.s32 v42, v16;
	v16 =	vadd.s32 v19, v15;
	v13 =	vadd.s32 v27, v13;
	[tilespmem:$0x1FDD0] =	vst v0  }
0x5a: {  	v16 =	vadd.s32 v27, v16;
	v20 =	vadd.s32 v49, v10;
	v21 =	vadd.s32 v54, v10;
	v2 =	vld.idx.msk [tilespmem:v8+s21+$0x0], $0xffff  }
0x5b: {  	v22 =	vadd.s32 v62, v10;
	v23 =	vadd.s32 v50, v10;
	v17 =	vadd.s32 v17, v18;
	v0 =	vld.idx.msk [tilespmem:v9+s21+$0x0], $0xffff  }
0x5c: {  	v24 =	vadd.s32 v26, v10;
	v17 =	vadd.s32 v42, v17;
	v19 =	vadd.s32 v19, v18;
	v11 =	vld.idx.msk [tilespmem:v11+s21+$0x0], $0xffff  }
0x5d: {  	v25 =	vadd.s32 v60, v10;
	v4 =	vadd.s32 v36, v5;
	v19 =	vadd.s32 v27, v19;
	v8 =	vld.idx.msk [tilespmem:v12+s21+$0x0], $0xffff  }
0x5e: {  	v20 =	vadd.s32 v29, v20;
	v58 =	vld.idx.msk [tilespmem:v13+s21+$0x0], $0xffff;
	[tilespmem:$0x1FE80] =	vst v4;
	v4 =	vadd.s32 v53, v5  }
0x5f: {  	v21 =	vadd.s32 v51, v21;
	v12 =	vld.idx.msk [tilespmem:v14+s21+$0x0], $0xffff;
	[tilespmem:$0x1FE90] =	vst v4;
	v4 =	vadd.s32 v57, v5  }
0x60: {  	v22 =	vadd.s32 v61, v22;
	v16 =	vld.idx.msk [tilespmem:v16+s21+$0x0], $0xffff;
	[tilespmem:$0x1FEA0] =	vst v4;
	v4 =	vadd.s32 v56, v5  }
0x61: {  	v23 =	vadd.s32 v31, v23;
	v59 =	vld.idx.msk [tilespmem:v17+s21+$0x0], $0xffff;
	[tilespmem:$0x1FEB0] =	vst v4;
	v4 =	vadd.s32 v32, v5  }
0x62: {  	v24 =	vadd.s32 v33, v24;
	v19 =	vld.idx.msk [tilespmem:v19+s21+$0x0], $0xffff;
	[tilespmem:$0x1FEC0] =	vst v4;
	v4 =	vadd.s32 v28, v5  }
0x63: {  	v25 =	vadd.s32 v34, v25;
	v14 =	vld.idx.msk [tilespmem:v20+s21+$0x0], $0xffff;
	[tilespmem:$0x1FED0] =	vst v4  }
0x64: {  	v39 =	vadd.s32 v49, v15;
	v35 =	vadd.s32 v45, v10;
	v13 =	vld.idx.msk [tilespmem:v21+s21+$0x0], $0xffff  }
0x65: {  	v41 =	vadd.s32 v54, v15;
	v47 =	vadd.s32 v62, v15;
	v35 =	vadd.s32 v38, v35;
	v7 =	vld.idx.msk [tilespmem:v22+s21+$0x0], $0xffff  }
0x66: {  	v48 =	vadd.s32 v50, v15;
	v39 =	vadd.s32 v29, v39;
	v37 =	vadd.s32 v43, v10;
	v23 =	vld.idx.msk [tilespmem:v23+s21+$0x0], $0xffff  }
0x67: {  	v44 =	vadd.s32 v31, v48;
	v55 =	vadd.s32 v60, v15;
	v37 =	vadd.s32 v40, v37;
	v24 =	vld.idx.msk [tilespmem:v24+s21+$0x0], $0xffff  }
0x68: {  	v48 =	vadd.s32 v45, v15;
	v20 =	vadd.s32 v32, v10;
	v25 =	vld.idx.msk [tilespmem:v25+s21+$0x0], $0xffff;
	[tilespmem:$0x1FD40] =	vst v49  }
0x69: {  	v30 =	vadd.s32 v36, v10;
	v46 =	vadd.s32 v53, v10;
	v6 =	vadd.f32 v3, v6;
	[tilespmem:$0x1FD50] =	vst v20;
	v20 =	vld [tilespmem:$0x1FDA0]  }
0x6a: {  	v3 =	vadd.s32 v62, v18;
	v9 =	vadd.s32 v28, v10;
	v35 =	vld.idx.msk [tilespmem:v35+s21+$0x0], $0xffff;
	[tilespmem:$0x1FD60] =	vst v54  }
0x6b: {  	v17 =	vadd.s32 v51, v41;
	v5 =	vadd.s32 v61, v47;
	v47 =	vadd.s32 v57, v10;
	[tilespmem:$0x1FD70] =	vst v9;
	v9 =	vld [tilespmem:$0x1FD90]  }
0x6c: {  	v4 =	vadd.s32 v34, v55;
	v55 =	vadd.s32 v38, v48;
	v48 =	vadd.s32 v56, v10;
	v10 =	vld.idx.msk [tilespmem:v37+s21+$0x0], $0xffff  }
0x6d: {  	[tilespmem:$0x1FD80] =	vst v62;
	v62 =	vadd.s32 v61, v3;
	v3 =	vld [tilespmem:$0x1FDB0];
	_ =	sdelay $0x1  }
0x6e: {  	v52 =	vadd.s32 v26, v15;
	v41 =	vadd.s32 v43, v15  }
0x6f: {  	v52 =	vadd.s32 v33, v52;
	v41 =	vadd.s32 v40, v41;
	v54 =	vadd.s32 v54, v18;
	v39 =	vld.idx.msk [tilespmem:v39+s21+$0x0], $0xffff  }
0x70: {  	v0 =	vadd.f32 v11, v0;
	v37 =	vadd.s32 v51, v54;
	v54 =	vadd.f32 v20, v9;
	v9 =	vld.idx.msk [tilespmem:v17+s21+$0x0], $0xffff  }
0x71: {  	v58 =	vadd.f32 v58, v8;
	v49 =	vadd.s32 v49, v18;
	[tilespmem:$0x1FDC0] =	vst v50;
	v61 =	vadd.f32 v1, v3;
	v3 =	vld [tilespmem:$0x1FDD0]  }
0x72: {  	v29 =	vadd.s32 v29, v49;
	v49 =	vadd.s32 v36, v15;
	v51 =	vadd.s32 v57, v15;
	v22 =	vld.idx.msk [tilespmem:v5+s21+$0x0], $0xffff  }
0x73: {  	v59 =	vadd.f32 v19, v59;
	v1 =	vadd.s32 v50, v18;
	v17 =	vld.idx.msk [tilespmem:v44+s21+$0x0], $0xffff;
	[tilespmem:$0x1FDE0] =	vst v26  }
0x74: {  	v21 =	vadd.s32 v31, v1;
	v1 =	vadd.s32 v26, v18;
	v8 =	vld.idx.msk [tilespmem:v52+s21+$0x0], $0xffff;
	[tilespmem:$0x1FDF0] =	vst v60  }
0x75: {  	v50 =	vadd.s32 v53, v15;
	v44 =	vadd.s32 v32, v15;
	v20 =	vadd.s32 v33, v1;
	v11 =	vld.idx.msk [tilespmem:v4+s21+$0x0], $0xffff  }
0x76: {  	v1 =	vadd.s32 v60, v18;
	v60 =	vadd.f32 v16, v12;
	v12 =	vld.idx.msk [tilespmem:v55+s21+$0x0], $0xffff;
	[tilespmem:$0x1FE00] =	vst v45  }
0x77: {  	v19 =	vadd.s32 v34, v1;
	v1 =	vadd.f32 v13, v14;
	v13 =	vld.idx.msk [tilespmem:v41+s21+$0x0], $0xffff;
	[tilespmem:$0x1FE10] =	vst v43  }
0x78: {  	v52 =	vadd.s32 v56, v15;
	v14 =	vld.idx.msk [tilespmem:v29+s21+$0x0], $0xffff;
	v2 =	vadd.f32 v2, v3;
	v3 =	vadd.f32 v23, v7  }
0x79: {  	v7 =	vadd.s32 v43, v18;
	v43 =	vadd.s32 v28, v15;
	v15 =	vld.idx.msk [tilespmem:v37+s21+$0x0], $0xffff;
	[tilespmem:$0x1FE20] =	vst v36  }
0x7a: {  	v16 =	vld.idx.msk [tilespmem:v62+s21+$0x0], $0xffff;
	[tilespmem:$0x1FE30] =	vst v53  }
0x7b: {  	v5 =	vadd.s32 v45, v18;
	[tilespmem:$0x1FE40] =	vst v57  }
0x7c: {  	v55 =	vadd.s32 v32, v18;
	v62 =	vadd.f32 v17, v22;
	v17 =	vld.idx.msk [tilespmem:v21+s21+$0x0], $0xffff;
	[tilespmem:$0x1FE50] =	vst v56  }
0x7d: {  	v23 =	vadd.s32 v38, v5;
	v5 =	vadd.f32 v9, v39;
	v9 =	vadd.s32 v53, v18;
	[tilespmem:$0x1FE60] =	vst v32  }
0x7e: {  	v26 =	vadd.s32 v40, v7;
	v7 =	vadd.f32 v10, v35;
	v10 =	vadd.s32 v36, v18;
	[tilespmem:$0x1FE70] =	vst v28;
	v21 =	vld [tilespmem:$0x1FE80]  }
0x7f: {  	v57 =	vadd.s32 v57, v18;
	v53 =	vadd.s32 v28, v18;
	v56 =	vadd.s32 v56, v18;
	v18 =	vld.idx.msk [tilespmem:v20+s21+$0x0], $0xffff  }
0x80: {  	v20 =	vld [tilespmem:$0x1FF90];
	_ =	sdelay $0x4  }
0x81: {  	v4 =	vadd.f32 v25, v24;
	v25 =	vadd.s32 v20, v21;
	v20 =	vld [tilespmem:$0x1FE90];
	_ =	sdelay $0x3  }
0x82: {  	v21 =	vld [tilespmem:$0x1FFB0]  }
0x83: {  	v24 =	vadd.s32 v63, v20;
	v20 =	vld [tilespmem:$0x1FEA0];
	_ =	sdelay $0x4  }
0x84: {  	v22 =	vadd.s32 v21, v20;
	v21 =	vld.idx.msk [tilespmem:v19+s21+$0x0], $0xffff  }
0x85: {  	v20 =	vld [tilespmem:$0x1FFC0]  }
0x86: {  	v19 =	vld [tilespmem:$0x1FEB0];
	_ =	sdelay $0x2  }
0x87: {  	v31 =	vld [tilespmem:$0x1FF00]  }
0x88: {  	v32 =	vld [tilespmem:$0x1FF10]  }
0x89: {  	v20 =	vadd.s32 v20, v19;
	v19 =	vld [tilespmem:$0x1FEC0]  }
0x8a: {  	v28 =	vld [tilespmem:$0x1FED0];
	_ =	sdelay $0x2  }
0x8b: {  	v33 =	vimm.f32 $0.0e+00;
	v34 =	vimm.f32 $0.0e+00  }
0x8c: {  	v29 =	vimm.f32 $0.0e+00;
	v35 =	vimm.f32 $0.0e+00;
	v23 =	vld.idx.msk [tilespmem:v23+s21+$0x0], $0xffff;
	v19 =	vadd.s32 v31, v19  }
0x8d: {  	s8 =	sshll.u32 s18, $0x1;
	s9 =	simm.s32 $0x4;
	v36 =	vimm.f32 $0.0e+00;
	v26 =	vld.idx.msk [tilespmem:v26+s21+$0x0], $0xffff;
	v63 =	vadd.s32 v32, v28;
	v28 =	vimm.f32 $0.0e+00  }
.LBB2_3:
0x8e: {  	v25 =	vld.idx.msk [tilespmem:v25+s25+$0x0], $0xffff  }
0x8f: {  	v8 =	vadd.f32 v11, v8;
	v11 =	vadd.f32 v13, v12;
	v13 =	vld [tilespmem:$0x1FF90]  }
0x90: {  	v0 =	vadd.f32 v0, v2;
	v2 =	vld.idx.msk [tilespmem:v20+s25+$0x0], $0xffff  }
0x91: {  	v19 =	vld.idx.msk [tilespmem:v19+s25+$0x0], $0xffff  }
0x92: {  	v40 =	vld [tilespmem:$0x1FD40]  }
0x93: {  	v41 =	vld [tilespmem:$0x1FFF0]  }
0x94: {  	v1 =	vadd.f32 v3, v1;
	v3 =	vadd.f32 v7, v4;
	v4 =	vld [tilespmem:$0x1FD50]  }
0x95: {  	v18 =	vadd.f32 v21, v18;
	v21 =	vadd.f32 v26, v23;
	v26 =	vld [tilespmem:$0x1FFB0]  }
0x96: {  	v12 =	vadd.s32 v13, v30;
	v30 =	vmov v13;
	v13 =	vld.idx.msk [tilespmem:v24+s25+$0x0], $0xffff  }
0x97: {  	v6 =	vadd.f32 v61, v6;
	v24 =	vld [tilespmem:$0x1FFA0]  }
0x98: {  	v7 =	vld.idx.msk [tilespmem:v63+s25+$0x0], $0xffff;
	v5 =	vadd.f32 v62, v5;
	v10 =	vadd.s32 v30, v10  }
0x99: {  	v0 =	vadd.f32 v0, v6;
	v1 =	vadd.f32 v3, v1;
	v23 =	vld [tilespmem:$0x1FFC0];
	v6 =	vadd.s32 v30, v49  }
0x9a: {  	v14 =	vadd.f32 v15, v14;
	v15 =	vadd.f32 v17, v16;
	v17 =	vld.idx.msk [tilespmem:v22+s25+$0x0], $0xffff;
	v4 =	vadd.s32 v31, v4  }
0x9b: {  	v8 =	vadd.f32 v11, v8;
	v1 =	vadd.f32 v58, v1;
	v58 =	vld [tilespmem:$0x1FE00];
	v22 =	vadd.s32 v26, v47  }
0x9c: {  	v16 =	vadd.s32 v24, v46;
	v12 =	vld.idx.msk [tilespmem:v12+s25+$0x0], $0xffff  }
0x9d: {  	v5 =	vadd.f32 v8, v5;
	v9 =	vadd.s32 v24, v9;
	v10 =	vld.idx.msk [tilespmem:v10+s25+$0x0], $0xffff  }
0x9e: {  	v11 =	vadd.f32 v15, v14;
	v14 =	vadd.f32 v21, v18;
	v20 =	vadd.s32 v23, v48;
	v6 =	vld.idx.msk [tilespmem:v6+s25+$0x0], $0xffff  }
0x9f: {  	v0 =	vadd.f32 v54, v0;
	v8 =	vadd.s32 v24, v50;
	v4 =	vld.idx.msk [tilespmem:v4+s25+$0x0], $0xffff  }
0xa0: {  	v5 =	vadd.f32 v60, v5;
	v11 =	vadd.f32 v14, v11;
	v14 =	vld.idx.msk [tilespmem:v22+s25+$0x0], $0xffff  }
0xa1: {  	v0 =	vmul.f32 $1.000000010e-01, v0;
	v18 =	vadd.s32 v23, v52;
	v3 =	vld.idx.msk [tilespmem:v16+s25+$0x0], $0xffff  }
0xa2: {  	v5 =	vmul.f32 $1.000000010e-01, v5;
	v21 =	vadd.s32 v23, v56;
	v9 =	vld.idx.msk [tilespmem:v9+s25+$0x0], $0xffff  }
0xa3: {  	v2 =	vmul.f32 v2, v0;
	v15 =	vadd.s32 v26, v51;
	v11 =	vadd.f32 v59, v11;
	v16 =	vld.idx.msk [tilespmem:v20+s25+$0x0], $0xffff  }
0xa4: {  	v19 =	vmul.f32 v19, v0;
	v23 =	vadd.s32 v31, v55;
	v17 =	vmul.f32 v0, v17;
	v8 =	vld.idx.msk [tilespmem:v8+s25+$0x0], $0xffff  }
0xa5: {  	v13 =	vmul.f32 v0, v13;
	v11 =	vmul.f32 $1.000000010e-01, v11;
	v20 =	vadd.s32 v26, v57;
	v26 =	vld [tilespmem:$0x1FD70]  }
0xa6: {  	v24 =	vadd.s32 v32, v53;
	v22 =	vmul.f32 v0, v25;
	v0 =	vmul.f32 v7, v0;
	v7 =	vld.idx.msk [tilespmem:v18+s25+$0x0], $0xffff  }
0xa7: {  	v13 =	vadd.f32 v13, v36;
	v18 =	vadd.s32 v31, v44;
	v21 =	vld.idx.msk [tilespmem:v21+s25+$0x0], $0xffff;
	v9 =	vmul.f32 v11, v9  }
0xa8: {  	v1 =	vmul.f32 $1.000000010e-01, v1;
	v15 =	vld.idx.msk [tilespmem:v15+s25+$0x0], $0xffff;
	v25 =	vadd.s32 v32, v43;
	v10 =	vmul.f32 v11, v10  }
0xa9: {  	v23 =	vld.idx.msk [tilespmem:v23+s25+$0x0], $0xffff;
	v22 =	vadd.f32 v22, v35;
	v8 =	vmul.f32 v5, v8;
	v9 =	vadd.f32 v9, v13  }
0xaa: {  	v6 =	vmul.f32 v5, v6;
	v20 =	vld.idx.msk [tilespmem:v20+s25+$0x0], $0xffff;
	v26 =	vadd.s32 v32, v26  }
0xab: {  	v10 =	vadd.f32 v10, v22;
	v3 =	vmul.f32 v1, v3;
	v13 =	vld.idx.msk [tilespmem:v24+s25+$0x0], $0xffff;
	v8 =	vadd.f32 v8, v9  }
0xac: {  	v2 =	vadd.f32 v2, v34;
	v0 =	vadd.f32 v0, v33;
	v18 =	vld.idx.msk [tilespmem:v18+s25+$0x0], $0xffff;
	v21 =	vmul.f32 v21, v11  }
0xad: {  	v12 =	vmul.f32 v1, v12;
	v6 =	vadd.f32 v6, v10;
	v10 =	vld.idx.msk [tilespmem:v25+s25+$0x0], $0xffff;
	v3 =	vadd.f32 v3, v8  }
0xae: {  	v49 =	vld [tilespmem:$0x1FD60];
	v4 =	vmul.f32 v4, v1;
	v7 =	vmul.f32 v7, v5;
	v2 =	vadd.f32 v21, v2  }
0xaf: {  	v22 =	vlaneseq.u32;
	v6 =	vadd.f32 v12, v6;
	v20 =	vmul.f32 v11, v20;
	[tilespmem:$0x1FD00] =	vst v3;
	v3 =	vld.idx.msk [tilespmem:v26+s25+$0x0], $0xffff  }
0xb0: {  	v51 =	vld [tilespmem:$0x1FDC0];
	v12 =	vadd.f32 v19, v29;
	v8 =	vmul.f32 v23, v11;
	v11 =	vmul.f32 v13, v11  }
0xb1: {  	v52 =	vld [tilespmem:$0x1FDE0];
	v2 =	vadd.f32 v7, v2;
	v9 =	vmul.f32 v5, v15;
	[tilespmem:$0x1FCE0] =	vst v6;
	v6 =	vadd.f32 v17, v28  }
0xb2: {  	v13 =	vmul.f32 v18, v5;
	v5 =	vmul.f32 v10, v5;
	v10 =	vld [tilespmem:$0x1FD20];
	v0 =	vadd.f32 v11, v0  }
0xb3: {  	v16 =	vmul.f32 v16, v1;
	v6 =	vadd.f32 v20, v6;
	v8 =	vadd.f32 v8, v12;
	v12 =	vld [tilespmem:$0x1FD30]  }
0xb4: {  	v55 =	vld [tilespmem:$0x1FF70];
	v14 =	vmul.f32 v1, v14;
	v0 =	vadd.f32 v5, v0;
	v1 =	vmul.f32 v3, v1  }
0xb5: {  	v50 =	vld [tilespmem:$0x1FD80];
	v15 =	vadd.s32 s9, v22;
	v2 =	vadd.f32 v16, v2;
	v6 =	vadd.f32 v9, v6  }
0xb6: {  	v17 =	vld [tilespmem:$0x1FFD0];
	v7 =	vadd.f32 v13, v8;
	v8 =	vand.u32 $0x3F, v15;
	v0 =	vadd.f32 v1, v0  }
0xb7: {  	v56 =	vld [tilespmem:$0x1FF80];
	[tilespmem:$0x1FD10] =	vst v2;
	v2 =	vadd.s32 v10, v8  }
0xb8: {  	v44 =	vld [tilespmem:$0x1FFE0];
	v3 =	vadd.f32 v14, v6;
	v1 =	vadd.s32 v12, v8;
	[tilespmem:$0x1FCF0] =	vst v0;
	v0 =	vadd.s32 v42, v2  }
0xb9: {  	v57 =	vld [tilespmem:$0x1FDF0];
	v1 =	vadd.s32 v27, v1  }
0xba: {  	v16 =	vld [tilespmem:$0x1FF40];
	[tilespmem:$0x1FC70] =	vst v3;
	v3 =	vadd.f32 v4, v7;
	v4 =	vadd.s32 v50, v8  }
0xbb: {  	v23 =	vld [tilespmem:$0x1FF60];
	v4 =	vadd.s32 v17, v4  }
0xbc: {  	v18 =	vld [tilespmem:$0x1FF50]  }
0xbd: {  	v2 =	vadd.s32 v40, v8;
	v0 =	vld.idx.msk [tilespmem:v0+s21+$0x0], $0xffff  }
0xbe: {  	[tilespmem:$0x1FCA0] =	vst v3;
	v3 =	vadd.s32 v49, v8;
	v2 =	vadd.s32 v41, v2;
	v1 =	vld.idx.msk [tilespmem:v1+s21+$0x0], $0xffff  }
0xbf: {  	v59 =	vld [tilespmem:$0x1FE10];
	v3 =	vadd.s32 v44, v3  }
0xc0: {  	v5 =	vadd.s32 v51, v8;
	v4 =	vld.idx.msk [tilespmem:v4+s21+$0x0], $0xffff  }
0xc1: {  	v5 =	vadd.s32 v16, v5;
	v6 =	vadd.s32 v52, v8  }
0xc2: {  	[tilespmem:$0x1FC80] =	vst v0;
	v0 =	vadd.s32 v18, v6;
	v6 =	vadd.s32 v57, v8  }
0xc3: {  	v54 =	vld.idx.msk [tilespmem:v2+s21+$0x0], $0xffff;
	v2 =	vadd.s32 v58, v8;
	[tilespmem:$0x1FC90] =	vst v1;
	v1 =	vadd.s32 v23, v6  }
0xc4: {  	s10 =	sadd.s32 $0x3, s9;
	v53 =	vld.idx.msk [tilespmem:v3+s21+$0x0], $0xffff;
	v3 =	vadd.s32 v55, v2;
	v2 =	vadd.s32 v59, v8  }
0xc5: {  	v45 =	vld [tilespmem:$0x1FE50];
	[tilespmem:$0x1FCB0] =	vst v4;
	v4 =	vadd.s32 v56, v2;
	v6 =	vadd.s32 s10, v22  }
0xc6: {  	s11 =	sadd.s32 $0x2, s9;
	v61 =	vld.idx.msk [tilespmem:v5+s21+$0x0], $0xffff;
	v6 =	vand.u32 $0x3F, v6  }
0xc7: {  	v2 =	vadd.s32 s11, v22;
	v7 =	vadd.s32 v10, v6;
	v0 =	vld.idx.msk [tilespmem:v0+s21+$0x0], $0xffff  }
0xc8: {  	v43 =	vand.u32 $0x3F, v2;
	v2 =	vadd.s32 v12, v6;
	v5 =	vadd.s32 v42, v7;
	v25 =	vld.idx.msk [tilespmem:v1+s21+$0x0], $0xffff  }
0xc9: {  	v7 =	vadd.s32 v10, v43;
	v9 =	vadd.s32 v27, v2;
	v1 =	vld.idx.msk [tilespmem:v3+s21+$0x0], $0xffff  }
0xca: {  	v24 =	vld.idx.msk [tilespmem:v4+s21+$0x0], $0xffff;
	v4 =	vadd.s32 v40, v6;
	v7 =	vadd.s32 v42, v7  }
0xcb: {  	v29 =	vld [tilespmem:$0x1FE70];
	s11 =	sadd.s32 $0x1, s9;
	v13 =	vadd.s32 v41, v4  }
0xcc: {  	v28 =	vld [tilespmem:$0x1FE60];
	[tilespmem:$0x1FCC0] =	vst v0;
	v0 =	vadd.s32 s11, v22  }
0xcd: {  	v63 =	vld.idx.msk [tilespmem:v5+s21+$0x0], $0xffff;
	v2 =	vand.u32 $0x3F, v0;
	v0 =	vadd.s32 v12, v43  }
0xce: {  	v60 =	vld.idx.msk [tilespmem:v9+s21+$0x0], $0xffff;
	[tilespmem:$0x1FCD0] =	vst v1;
	v1 =	vadd.s32 v10, v2;
	v10 =	vadd.s32 v27, v0  }
0xcf: {  	v62 =	vld.idx.msk [tilespmem:v7+s21+$0x0], $0xffff;
	v11 =	vadd.s32 v42, v1;
	v1 =	vadd.s32 v12, v2  }
0xd0: {  	v5 =	vld.idx.msk [tilespmem:v13+s21+$0x0], $0xffff;
	v12 =	vadd.s32 v27, v1  }
0xd1: {  	v14 =	vadd.s32 v49, v6;
	v0 =	vld [tilespmem:$0x1FE20]  }
0xd2: {  	v9 =	vadd.s32 v44, v14;
	v14 =	vadd.s32 v50, v6;
	v42 =	vld [tilespmem:$0x1FE30]  }
0xd3: {  	v7 =	vld.idx.msk [tilespmem:v10+s21+$0x0], $0xffff;
	v10 =	vadd.s32 v17, v14;
	v14 =	vadd.s32 v51, v6  }
0xd4: {  	v19 =	vld.idx.msk [tilespmem:v11+s21+$0x0], $0xffff;
	v11 =	vadd.s32 v16, v14;
	v14 =	vadd.s32 v52, v6  }
0xd5: {  	v32 =	vadd.s32 v28, v8;
	v20 =	vld.idx.msk [tilespmem:v12+s21+$0x0], $0xffff;
	v12 =	vadd.s32 v18, v14;
	v14 =	vadd.s32 v57, v6  }
0xd6: {  	v34 =	vadd.s32 v29, v8;
	v27 =	vld [tilespmem:$0x1FE40];
	v13 =	vadd.s32 v23, v14;
	v14 =	vadd.s32 v58, v6  }
0xd7: {  	v15 =	vadd.s32 v40, v43;
	v4 =	vld.idx.msk [tilespmem:v9+s21+$0x0], $0xffff;
	v9 =	vadd.s32 v55, v14;
	v14 =	vadd.s32 v59, v6  }
0xd8: {  	v48 =	vadd.s32 v45, v6;
	v1 =	vadd.s32 v45, v8;
	v3 =	vld.idx.msk [tilespmem:v10+s21+$0x0], $0xffff;
	v10 =	vadd.s32 v56, v14  }
0xd9: {  	v21 =	vadd.s32 v0, v8;
	v14 =	vadd.s32 v41, v15;
	v15 =	vadd.s32 v49, v43;
	v31 =	vld.idx.msk [tilespmem:v11+s21+$0x0], $0xffff  }
0xda: {  	v22 =	vadd.s32 v42, v8;
	v11 =	vadd.s32 v44, v15;
	v15 =	vadd.s32 v50, v43;
	v33 =	vld.idx.msk [tilespmem:v12+s21+$0x0], $0xffff  }
0xdb: {  	v26 =	vadd.s32 v27, v8;
	v8 =	vadd.s32 v17, v15;
	v12 =	vadd.s32 v51, v43;
	v35 =	vld.idx.msk [tilespmem:v13+s21+$0x0], $0xffff  }
0xdc: {  	v30 =	vadd.s32 v0, v6;
	v12 =	vadd.s32 v16, v12;
	v13 =	vadd.s32 v52, v43;
	v36 =	vld.idx.msk [tilespmem:v9+s21+$0x0], $0xffff  }
0xdd: {  	v46 =	vadd.s32 v42, v6;
	v9 =	vadd.s32 v18, v13;
	v13 =	vadd.s32 v57, v43;
	v37 =	vld.idx.msk [tilespmem:v10+s21+$0x0], $0xffff  }
0xde: {  	v47 =	vadd.s32 v27, v6;
	v38 =	vld.idx.msk [tilespmem:v14+s21+$0x0], $0xffff;
	v10 =	vadd.s32 v23, v13;
	v13 =	vadd.s32 v58, v43  }
0xdf: {  	v14 =	vadd.s32 v40, v2;
	v39 =	vld.idx.msk [tilespmem:v11+s21+$0x0], $0xffff;
	v13 =	vadd.s32 v55, v13;
	v11 =	vadd.s32 v59, v43  }
0xe0: {  	v14 =	vadd.s32 v41, v14;
	v40 =	vld.idx.msk [tilespmem:v8+s21+$0x0], $0xffff;
	v15 =	vadd.s32 v56, v11;
	v8 =	vadd.s32 v28, v6  }
0xe1: {  	v6 =	vadd.s32 v29, v6;
	[tilespmem:$0x1FD50] =	vst v8;
	v8 =	vadd.s32 v49, v2;
	v41 =	vld.idx.msk [tilespmem:v12+s21+$0x0], $0xffff  }
0xe2: {  	v11 =	vadd.s32 v50, v2;
	[tilespmem:$0x1FD70] =	vst v6;
	v6 =	vadd.s32 v44, v8;
	v8 =	vld.idx.msk [tilespmem:v9+s21+$0x0], $0xffff  }
0xe3: {  	v12 =	vadd.s32 v51, v2;
	v9 =	vadd.s32 v17, v11;
	v11 =	vld.idx.msk [tilespmem:v10+s21+$0x0], $0xffff;
	v10 =	vadd.s32 v52, v2  }
0xe4: {  	v51 =	vadd.s32 v27, v43;
	v18 =	vadd.s32 v18, v10;
	v10 =	vadd.s32 v57, v2  }
0xe5: {  	v57 =	vadd.s32 v27, v2;
	v27 =	vld [tilespmem:$0x1FC90];
	v23 =	vadd.s32 v23, v10;
	v10 =	vadd.s32 v58, v2  }
0xe6: {  	v49 =	vadd.s32 v0, v43;
	v58 =	vadd.s32 v55, v10;
	v10 =	vadd.s32 v0, v2;
	v0 =	vld [tilespmem:$0x1FC80];
	_ =	sdelay $0x1  }
0xe7: {  	v17 =	vadd.s32 v16, v12;
	v12 =	vld.idx.msk [tilespmem:v13+s21+$0x0], $0xffff  }
0xe8: {  	v13 =	vld.idx.msk [tilespmem:v15+s21+$0x0], $0xffff  }
0xe9: {  	v15 =	vld.idx.msk [tilespmem:v6+s21+$0x0], $0xffff;
	v6 =	vadd.s32 v59, v2  }
0xea: {  	v59 =	vadd.s32 v56, v6;
	v6 =	vadd.f32 v53, v54;
	v54 =	vadd.f32 v27, v0;
	v0 =	vld [tilespmem:$0x1FCB0];
	_ =	sdelay $0x4  }
0xeb: {  	v61 =	vadd.f32 v61, v0;
	v0 =	vld [tilespmem:$0x1FCC0];
	_ =	sdelay $0x3  }
0xec: {  	v55 =	vadd.s32 v28, v2;
	v16 =	vld.idx.msk [tilespmem:v9+s21+$0x0], $0xffff;
	v9 =	vadd.s32 v42, v2  }
0xed: {  	v56 =	vadd.s32 v45, v2;
	v53 =	vadd.s32 v29, v2;
	v2 =	vadd.f32 v25, v0;
	v0 =	vld [tilespmem:$0x1FF90];
	_ =	sdelay $0x3  }
0xee: {  	v3 =	vadd.f32 v31, v3;
	v31 =	vld [tilespmem:$0x1FF00]  }
0xef: {  	v25 =	vadd.s32 v0, v21;
	v21 =	vld.idx.msk [tilespmem:v23+s21+$0x0], $0xffff  }
0xf0: {  	v0 =	vld [tilespmem:$0x1FCD0]  }
0xf1: {  	v23 =	vld [tilespmem:$0x1FFA0]  }
0xf2: {  	v14 =	vld.idx.msk [tilespmem:v14+s21+$0x0], $0xffff  }
0xf3: {  	v44 =	vadd.s32 v28, v43;
	v28 =	vld [tilespmem:$0x1FC70]  }
0xf4: {  	v17 =	vld.idx.msk [tilespmem:v17+s21+$0x0], $0xffff  }
0xf5: {  	v50 =	vadd.s32 v42, v43;
	v42 =	vld [tilespmem:$0x1FF20]  }
0xf6: {  	v0 =	vadd.f32 v24, v0;
	v24 =	vadd.s32 v23, v22;
	v22 =	vld [tilespmem:$0x1FFB0]  }
0xf7: {  	v52 =	vadd.s32 v45, v43;
	v43 =	vadd.s32 v29, v43;
	v29 =	vld [tilespmem:$0x1FCA0]  }
0xf8: {  	v23 =	vld.idx.msk [tilespmem:v58+s21+$0x0], $0xffff  }
0xf9: {  	v58 =	vadd.f32 v60, v63;
	v60 =	vadd.f32 v7, v62;
	v7 =	vld [tilespmem:$0x1FFC0]  }
0xfa: {  	v18 =	vld.idx.msk [tilespmem:v18+s21+$0x0], $0xffff  }
0xfb: {  	v22 =	vadd.s32 v22, v26;
	v26 =	vld.idx.msk [tilespmem:v59+s21+$0x0], $0xffff  }
0xfc: {  	p0 =	slt.u32 s9, $0x3C;
	v59 =	vadd.f32 v20, v19;
	v19 =	vadd.s32 v31, v32;
	v32 =	vld [tilespmem:$0x1FF10]  }
.Ltmp0:
0xfd: {  	v27 =	vld [tilespmem:$0x1FF30];
	(pc) =	sbr.rel @p0 .LBB2_3-.Ltmp0, $4  }
0xfe: {  	v20 =	vadd.s32 v7, v1;
	v1 =	vadd.f32 v4, v5;
	v4 =	vadd.f32 v35, v33;
	v35 =	vld [tilespmem:$0x1FCE0]  }
0xff: {  	v33 =	vld [tilespmem:$0x1FCF0]  }
0x100: {  	v7 =	vadd.f32 v37, v36;
	v36 =	vld [tilespmem:$0x1FD00]  }
0x101: {  	s9 =	sadd.s32 $0x4, s9;
	v62 =	vadd.f32 v41, v40;
	v5 =	vadd.f32 v39, v38;
	v63 =	vadd.s32 v32, v34;
	v34 =	vld [tilespmem:$0x1FD10]  }
0x102: {  	_ =	sdelay $0x3  }
0x103: {  	v8 =	vadd.f32 v11, v8;
	v11 =	vadd.f32 v13, v12;
	v13 =	vld.idx.msk [tilespmem:v25+s25+$0x0], $0xffff  }
0x104: {  	v25 =	vld [tilespmem:$0x1FF90]  }
0x105: {  	v12 =	vadd.f32 v15, v14;
	v15 =	vadd.f32 v17, v16;
	v17 =	vld.idx.msk [tilespmem:v24+s25+$0x0], $0xffff  }
0x106: {  	v24 =	vld [tilespmem:$0x1FFA0];
	_ =	sdelay $0x2  }
0x107: {  	v16 =	vadd.f32 v21, v18;
	v21 =	vadd.f32 v26, v23;
	v22 =	vld.idx.msk [tilespmem:v22+s25+$0x0], $0xffff  }
0x108: {  	v6 =	vadd.f32 v61, v6;
	v26 =	vld [tilespmem:$0x1FFB0];
	v0 =	vadd.f32 v0, v2;
	v14 =	vadd.s32 v25, v30  }
0x109: {  	v1 =	vadd.f32 v3, v1;
	v2 =	vld.idx.msk [tilespmem:v20+s25+$0x0], $0xffff;
	v4 =	vadd.f32 v7, v4;
	v18 =	vadd.s32 v24, v46  }
0x10a: {  	v20 =	vld [tilespmem:$0x1FFC0];
	v5 =	vadd.f32 v62, v5;
	v8 =	vadd.f32 v11, v8;
	v9 =	vadd.s32 v24, v9  }
0x10b: {  	v7 =	vld.idx.msk [tilespmem:v19+s25+$0x0], $0xffff;
	v12 =	vadd.f32 v15, v12;
	v15 =	vadd.f32 v21, v16;
	v10 =	vadd.s32 v25, v10  }
0x10c: {  	v16 =	vld.idx.msk [tilespmem:v63+s25+$0x0], $0xffff;
	v0 =	vadd.f32 v0, v6;
	v5 =	vadd.f32 v8, v5;
	v8 =	vadd.s32 v24, v50  }
0x10d: {  	v1 =	vadd.f32 v4, v1;
	v4 =	vadd.f32 v15, v12;
	v23 =	vadd.s32 v26, v47;
	v6 =	vld.idx.msk [tilespmem:v14+s25+$0x0], $0xffff  }
0x10e: {  	v0 =	vadd.f32 v54, v0;
	v11 =	vadd.s32 v25, v49;
	v12 =	vld.idx.msk [tilespmem:v18+s25+$0x0], $0xffff  }
0x10f: {  	v3 =	vadd.s32 v20, v48;
	v4 =	vadd.f32 v59, v4;
	v9 =	vld.idx.msk [tilespmem:v9+s25+$0x0], $0xffff  }
0x110: {  	v15 =	vadd.s32 v26, v51;
	v5 =	vadd.f32 v60, v5;
	v0 =	vmul.f32 $1.000000010e-01, v0;
	v10 =	vld.idx.msk [tilespmem:v10+s25+$0x0], $0xffff  }
0x111: {  	v19 =	vadd.s32 v26, v57;
	v4 =	vmul.f32 $1.000000010e-01, v4;
	v8 =	vld.idx.msk [tilespmem:v8+s25+$0x0], $0xffff  }
0x112: {  	v21 =	vadd.s32 v31, v55;
	v5 =	vmul.f32 $1.000000010e-01, v5;
	v17 =	vmul.f32 v0, v17;
	v14 =	vld.idx.msk [tilespmem:v23+s25+$0x0], $0xffff  }
0x113: {  	v1 =	vadd.f32 v58, v1;
	v13 =	vmul.f32 v0, v13;
	v22 =	vmul.f32 v0, v22;
	v11 =	vld.idx.msk [tilespmem:v11+s25+$0x0], $0xffff  }
0x114: {  	v18 =	vadd.s32 v20, v52;
	v3 =	vld.idx.msk [tilespmem:v3+s25+$0x0], $0xffff;
	v17 =	vadd.f32 v17, v36;
	v9 =	vmul.f32 v4, v9  }
0x115: {  	v20 =	vadd.s32 v20, v56;
	v15 =	vld.idx.msk [tilespmem:v15+s25+$0x0], $0xffff;
	v13 =	vadd.f32 v13, v35;
	v10 =	vmul.f32 v4, v10  }
0x116: {  	v2 =	vmul.f32 v2, v0;
	v19 =	vld.idx.msk [tilespmem:v19+s25+$0x0], $0xffff;
	v8 =	vmul.f32 v5, v8;
	v9 =	vadd.f32 v9, v17  }
0x117: {  	v7 =	vmul.f32 v7, v0;
	v23 =	vadd.s32 v32, v53;
	v10 =	vadd.f32 v10, v13;
	v13 =	vld [tilespmem:$0x1FD50]  }
0x118: {  	v0 =	vmul.f32 v16, v0;
	v16 =	vadd.s32 v31, v44;
	v8 =	vadd.f32 v8, v9;
	v9 =	vld [tilespmem:$0x1FD70]  }
0x119: {  	v24 =	vadd.s32 v32, v43;
	v1 =	vmul.f32 $1.000000010e-01, v1;
	v18 =	vld.idx.msk [tilespmem:v18+s25+$0x0], $0xffff  }
0x11a: {  	v2 =	vadd.f32 v2, v34;
	v11 =	vmul.f32 v5, v11;
	v20 =	vld.idx.msk [tilespmem:v20+s25+$0x0], $0xffff  }
0x11b: {  	v7 =	vadd.f32 v7, v29;
	v0 =	vadd.f32 v0, v33;
	v6 =	vmul.f32 v1, v6;
	v17 =	vld.idx.msk [tilespmem:v21+s25+$0x0], $0xffff  }
0x11c: {  	v12 =	vmul.f32 v1, v12;
	v21 =	vld.idx.msk [tilespmem:v23+s25+$0x0], $0xffff;
	v10 =	vadd.f32 v11, v10;
	v13 =	vadd.s32 v31, v13  }
0x11d: {  	v14 =	vmul.f32 v1, v14;
	v3 =	vmul.f32 v3, v1;
	v11 =	vld.idx.msk [tilespmem:v16+s25+$0x0], $0xffff;
	v9 =	vadd.s32 v32, v9  }
0x11e: {  	v15 =	vmul.f32 v5, v15;
	v16 =	vmul.f32 v4, v19;
	v19 =	vld.idx.msk [tilespmem:v24+s25+$0x0], $0xffff;
	v6 =	vadd.f32 v6, v10  }
0x11f: {  	v18 =	vmul.f32 v18, v5;
	v8 =	vadd.f32 v12, v8;
	v12 =	vadd.f32 v22, v28  }
0x120: {  	s9 =	sshll.u32 s18, $0x5;
	v10 =	vmul.f32 v20, v4;
	v20 =	vlaneseq.u32;
	v17 =	vmul.f32 v17, v4  }
0x121: {  	v4 =	vmul.f32 v21, v4;
	v12 =	vadd.f32 v16, v12;
	v16 =	vor.u32 s9, v20;
	v13 =	vld.idx.msk [tilespmem:v13+s25+$0x0], $0xffff  }
0x122: {  	s10 =	sor.u32 $0x200, s9;
	v2 =	vadd.f32 v10, v2;
	v10 =	vmul.f32 v11, v5;
	v7 =	vadd.f32 v17, v7;
	v9 =	vld.idx.msk [tilespmem:v9+s25+$0x0], $0xffff  }
0x123: {  	s11 =	sor.u32 $0x400, s9;
	v0 =	vadd.f32 v4, v0;
	v4 =	vmul.f32 v19, v5;
	v5 =	vor.u32 s10, v20  }
0x124: {  	v11 =	vadd.f32 v15, v12;
	v2 =	vadd.f32 v18, v2;
	v12 =	vor.u32 s11, v20;
	s11 =	sor.u32 $0x600, s9  }
0x125: {  	s9 =	sor.u32 $0x800, s9;
	v7 =	vadd.f32 v10, v7;
	v10 =	vor.u32 s11, v20;
	v0 =	vadd.f32 v4, v0  }
0x126: {  	p0 =	seq.s32 s18, $0xF;
	v4 =	vadd.f32 v14, v11;
	[tilespmem:v16+s31+$0x0] =	vst.idx.msk $0xffff, v6;
	v6 =	vor.u32 s9, v20;
	v13 =	vmul.f32 v13, v1  }
0x127: {  	s8 =	sadd.s32 @!p0 $0x2, s8;
	v2 =	vadd.f32 v3, v2;
	[tilespmem:v16+s1+$0x0] =	vst.idx.msk $0xffff, v8;
	v1 =	vmul.f32 v9, v1  }
0x128: {  	s9 =	smul.u32 @!p0 $0x280, s8;
	[tilespmem:v5+s1+$0x0] =	vst.idx.msk $0xffff, v4;
	v3 =	vadd.f32 v13, v7  }
0x129: {  	s8 =	smul.u32 @!p0 $0x180, s8;
	[tilespmem:v12+s1+$0x0] =	vst.idx.msk $0xffff, v2;
	v0 =	vadd.f32 v1, v0  }
0x12a: {  	s10 =	simm.s32 @!p0 $0x80;
	[tilespmem:v10+s1+$0x0] =	vst.idx.msk $0xffff, v3  }
0x12b: {  	s11 =	simm.s32 @!p0 $0x4000;
	s9 =	sshra.s32 @!p0 s9, $0x2;
	s8 =	sshra.s32 @!p0 s8, $0x2;
	[tilespmem:v6+s1+$0x0] =	vst.idx.msk $0xffff, v0  }
0x12c: {  	[tilespmem:s11], [sflag:$0x1] =	stream.indirect.gather @!p0 [hbm4b:s3+s10], $0x80, s9, s10, $0xb8;
	[tilespmem:$0x14C00] =	vst v63  }
0x12d: {  	s9 =	sadd.s32 @!p0 $0x80, s9;
	s10 =	simm.s32 @!p0 $0x20;
	s11 =	simm.s32 @!p0 $0x8000  }
0x12e: {  	[tilespmem:s11], [sflag:$0x1] =	stream.indirect.gather @!p0 [hbm4b:s3+s10], $0x80, s9, s10, $0xb8;
	[tilespmem:$0x14C00] =	vst v63  }
0x12f: {  	s8 =	sadd.s32 @!p0 $0x2800, s8;
	s9 =	simm.s32 @!p0 $0x60;
	s10 =	simm.s32 @!p0 $0xE000  }
0x130: {  	[tilespmem:s10], [sflag:$0x1] =	stream.indirect.gather @!p0 [hbm4b:s4+s9], $0x80, s8, s9, $0xb8;
	[tilespmem:$0x14C00] =	vst v63  }
0x131: {  	_ =	swait.ge [sflag:s0], $0x5000  }
0x132: {  	v5 =	vld [tilespmem:$0x1FEE0];
	_ =	sdelay $0x3  }
0x133: {  	[sflag:s0] =	ssyncset.done $0x0  }
0x134: {  	s11 =	sor.u32 $0x1, s7;
	[sflag:s0] =	ssyncadd.s32 $0xFFFFB000;
	v0 =	vadd.s32 s7, v5  }
0x135: {  	s9 =	sor.u32 $0x2, s7;
	_ =	swait.ge [sflag:s0], $0x3000;
	v1 =	vadd.s32 s11, v5  }
0x136: {  	s10 =	sor.u32 $0x3, s7;
	v6 =	vld [tilespmem:$0x1FEF0];
	v2 =	vadd.s32 s9, v5  }
0x137: {  	[sflag:s0] =	ssyncset.done $0x0;
	v22 =	vld [tilespmem:$0x1FFF0];
	v3 =	vadd.s32 s10, v5;
	s11 =	sor.u32 $0x4, s7  }
0x138: {  	v49 =	vld [tilespmem:$0x1FFE0];
	[sflag:s0] =	ssyncadd.s32 $0xFFFFD000;
	s9 =	sor.u32 $0x8, s7;
	v4 =	vadd.s32 s11, v5  }
0x139: {  	s10 =	sor.u32 $0x9, s7;
	v23 =	vld.idx.msk [tilespmem:v0+s17+$0x0], $0xffff;
	v0 =	vadd.s32 s9, v5  }
0x13a: {  	s11 =	sor.u32 $0x5, s7;
	v44 =	vld.idx.msk [tilespmem:v1+s17+$0x0], $0xffff;
	v1 =	vadd.s32 s10, v5  }
0x13b: {  	v52 =	vld.idx.msk [tilespmem:v2+s17+$0x0], $0xffff;
	v2 =	vadd.s32 s11, v5;
	s9 =	sor.u32 $0x6, s7  }
0x13c: {  	v36 =	vld.idx.msk [tilespmem:v3+s17+$0x0], $0xffff;
	s10 =	sor.u32 $0x7, s7;
	v3 =	vadd.s32 s9, v5  }
0x13d: {  	v38 =	vld.idx.msk [tilespmem:v4+s17+$0x0], $0xffff;
	v4 =	vadd.s32 s10, v5  }
0x13e: {  	s11 =	sor.u32 $0x1, s6;
	v17 =	vld.idx.msk [tilespmem:v0+s17+$0x0], $0xffff;
	v0 =	vadd.s32 s6, v6  }
0x13f: {  	v18 =	vld.idx.msk [tilespmem:v1+s17+$0x0], $0xffff;
	v1 =	vadd.s32 s11, v6  }
0x140: {  	s10 =	simm.s32 $0x0;
	v37 =	vld.idx.msk [tilespmem:v2+s17+$0x0], $0xffff  }
0x141: {  	s8 =	sor.u32 $0x2, s6;
	s9 =	sor.u32 $0x3, s6;
	v5 =	vadd.s32 s10, v20;
	v40 =	vld.idx.msk [tilespmem:v3+s17+$0x0], $0xffff  }
0x142: {  	v5 =	vand.u32 $0x3F, v5;
	v2 =	vadd.s32 s8, v6;
	s11 =	sor.u32 $0x4, s6;
	s8 =	sor.u32 $0x5, s6;
	v3 =	vadd.s32 s9, v6;
	v43 =	vld.idx.msk [tilespmem:v4+s17+$0x0], $0xffff  }
0x143: {  	v4 =	vadd.s32 s11, v6;
	v57 =	vld.idx.msk [tilespmem:v0+s19+$0x0], $0xffff;
	v0 =	vadd.s32 s8, v6;
	v6 =	vadd.s32 v17, v5  }
0x144: {  	v61 =	vld.idx.msk [tilespmem:v1+s19+$0x0], $0xffff;
	v1 =	vadd.s32 v42, v6  }
0x145: {  	v15 =	vld [tilespmem:$0x1FFD0];
	_ =	sdelay $0x1  }
0x146: {  	v7 =	vadd.s32 v23, v5;
	v53 =	vld.idx.msk [tilespmem:v2+s19+$0x0], $0xffff;
	v6 =	vadd.s32 v18, v5  }
0x147: {  	v45 =	vld.idx.msk [tilespmem:v3+s19+$0x0], $0xffff;
	v2 =	vadd.s32 v27, v6;
	v6 =	vadd.s32 v22, v7;
	v7 =	vadd.s32 v44, v5  }
0x148: {  	v3 =	vadd.s32 v49, v7;
	v7 =	vadd.s32 v52, v5;
	v1 =	vld.idx.msk [tilespmem:v1+s26+$0x0], $0xffff  }
0x149: {  	v29 =	vld.idx.msk [tilespmem:v4+s19+$0x0], $0xffff;
	v4 =	vadd.s32 v15, v7  }
0x14a: {  	v26 =	vld [tilespmem:$0x1FF40];
	_ =	sdelay $0x2  }
0x14b: {  	[tilespmem:$0x1FB00] =	vst v1  }
0x14c: {  	v8 =	vadd.s32 v36, v5;
	v1 =	vld.idx.msk [tilespmem:v4+s26+$0x0], $0xffff  }
0x14d: {  	v30 =	vld [tilespmem:$0x1FF50];
	v7 =	vadd.s32 v26, v8  }
0x14e: {  	v56 =	vld [tilespmem:$0x1FF70]  }
0x14f: {  	v54 =	vld.idx.msk [tilespmem:v2+s26+$0x0], $0xffff  }
0x150: {  	v6 =	vld.idx.msk [tilespmem:v6+s26+$0x0], $0xffff  }
0x151: {  	v3 =	vld.idx.msk [tilespmem:v3+s26+$0x0], $0xffff;
	[tilespmem:$0x1FB10] =	vst v1  }
0x152: {  	v8 =	vadd.s32 v38, v5;
	v1 =	vld.idx.msk [tilespmem:v7+s26+$0x0], $0xffff  }
0x153: {  	v9 =	vadd.s32 v40, v5;
	v33 =	vld.idx.msk [tilespmem:v0+s19+$0x0], $0xffff;
	v0 =	vadd.s32 v30, v8  }
0x154: {  	v63 =	vld [tilespmem:$0x1FF60];
	v9 =	vadd.s32 v56, v9  }
0x155: {  	v55 =	vld [tilespmem:$0x1FF80]  }
0x156: {  	[tilespmem:$0x1FAA0] =	vst v17  }
0x157: {  	s9 =	simm.s32 $0x3;
	[tilespmem:$0x1FB20] =	vst v1  }
0x158: {  	v10 =	vadd.s32 s9, v20;
	v8 =	vadd.s32 v37, v5;
	v50 =	vld.idx.msk [tilespmem:v0+s26+$0x0], $0xffff;
	[tilespmem:$0x1FAB0] =	vst v18  }
0x159: {  	s10 =	simm.s32 $0x2;
	v10 =	vand.u32 $0x3F, v10;
	v11 =	vadd.s32 v43, v5;
	v8 =	vadd.s32 v63, v8;
	v0 =	vld.idx.msk [tilespmem:v9+s26+$0x0], $0xffff  }
0x15a: {  	v12 =	vadd.s32 s10, v20;
	v13 =	vadd.s32 v17, v10;
	v11 =	vadd.s32 v55, v11  }
0x15b: {  	v16 =	vand.u32 $0x3F, v12;
	v12 =	vadd.s32 v42, v13;
	v13 =	vadd.s32 v18, v10  }
0x15c: {  	v13 =	vadd.s32 v27, v13;
	v4 =	vadd.s32 v17, v16  }
0x15d: {  	v4 =	vadd.s32 v42, v4  }
0x15e: {  	v2 =	vld.idx.msk [tilespmem:v8+s26+$0x0], $0xffff;
	[tilespmem:$0x1FB40] =	vst v0  }
0x15f: {  	v58 =	vld.idx.msk [tilespmem:v11+s26+$0x0], $0xffff  }
0x160: {  	v1 =	vadd.s32 v57, v5;
	v51 =	vld.idx.msk [tilespmem:v12+s26+$0x0], $0xffff  }
0x161: {  	s11 =	simm.s32 $0x1;
	v8 =	vld.idx.msk [tilespmem:v13+s26+$0x0], $0xffff;
	[tilespmem:$0x1FC10] =	vst v1  }
0x162: {  	v14 =	vadd.s32 s11, v20;
	v1 =	vld.idx.msk [tilespmem:v4+s26+$0x0], $0xffff  }
0x163: {  	v19 =	vand.u32 $0x3F, v14;
	v14 =	vadd.s32 v18, v16  }
0x164: {  	v14 =	vadd.s32 v27, v14;
	v17 =	vadd.s32 v17, v19  }
0x165: {  	v17 =	vadd.s32 v42, v17;
	v18 =	vadd.s32 v18, v19  }
0x166: {  	v20 =	vadd.s32 v23, v10;
	v18 =	vadd.s32 v27, v18  }
0x167: {  	v20 =	vadd.s32 v22, v20;
	[tilespmem:$0x1FB70] =	vst v1;
	v1 =	vadd.s32 v61, v5  }
0x168: {  	[tilespmem:$0x1FC20] =	vst v1;
	v1 =	vadd.s32 v53, v5  }
0x169: {  	v60 =	vld.idx.msk [tilespmem:v14+s26+$0x0], $0xffff;
	[tilespmem:$0x1FC30] =	vst v1;
	v1 =	vadd.s32 v45, v5  }
0x16a: {  	v12 =	vld.idx.msk [tilespmem:v17+s26+$0x0], $0xffff;
	[tilespmem:$0x1FC40] =	vst v1;
	v1 =	vadd.s32 v29, v5  }
0x16b: {  	v59 =	vld.idx.msk [tilespmem:v18+s26+$0x0], $0xffff;
	[tilespmem:$0x1FC50] =	vst v1  }
0x16c: {  	v21 =	vadd.s32 v44, v10;
	v7 =	vld.idx.msk [tilespmem:v20+s26+$0x0], $0xffff  }
0x16d: {  	v21 =	vadd.s32 v49, v21;
	v0 =	vmov v22;
	v22 =	vadd.s32 v52, v10  }
0x16e: {  	v11 =	vadd.s32 v15, v22;
	v22 =	vadd.s32 v36, v10  }
0x16f: {  	v24 =	vadd.s32 v38, v10;
	v22 =	vadd.s32 v26, v22;
	v5 =	vadd.s32 v33, v5  }
0x170: {  	v24 =	vadd.s32 v30, v24;
	v25 =	vadd.s32 v37, v10;
	[tilespmem:$0x1FC60] =	vst v5  }
0x171: {  	v39 =	vadd.s32 v23, v16;
	v47 =	vadd.s32 v52, v16;
	v25 =	vadd.s32 v63, v25;
	[tilespmem:$0x1FB80] =	vst v7  }
0x172: {  	v48 =	vadd.s32 v36, v16;
	v62 =	vadd.s32 v38, v16;
	v41 =	vadd.s32 v40, v10;
	v17 =	vld.idx.msk [tilespmem:v21+s26+$0x0], $0xffff  }
0x173: {  	v46 =	vadd.s32 v43, v10;
	v34 =	vadd.s32 v57, v10;
	v4 =	vadd.s32 v56, v41;
	v35 =	vld.idx.msk [tilespmem:v11+s26+$0x0], $0xffff  }
0x174: {  	v28 =	vadd.s32 v29, v10;
	v9 =	vadd.s32 v55, v46;
	v46 =	vadd.s32 v61, v10;
	v14 =	vld.idx.msk [tilespmem:v22+s26+$0x0], $0xffff  }
0x175: {  	v39 =	vadd.s32 v0, v39;
	v41 =	vadd.s32 v44, v16;
	v21 =	vadd.s32 v30, v62;
	v62 =	vld.idx.msk [tilespmem:v24+s26+$0x0], $0xffff  }
0x176: {  	v1 =	vadd.s32 v49, v41;
	v18 =	vadd.s32 v26, v48;
	v41 =	vadd.s32 v23, v19;
	v25 =	vld.idx.msk [tilespmem:v25+s26+$0x0], $0xffff  }
0x177: {  	v48 =	vadd.s32 v45, v10;
	v5 =	vadd.s32 v15, v47;
	[tilespmem:$0x1FAC0] =	vst v23;
	v23 =	vadd.s32 v0, v41;
	v0 =	vld [tilespmem:$0x1FB00]  }
0x178: {  	v47 =	vadd.s32 v53, v10;
	v10 =	vadd.s32 v33, v10;
	v24 =	vld.idx.msk [tilespmem:v4+s26+$0x0], $0xffff;
	[tilespmem:$0x1FAD0] =	vst v44  }
0x179: {  	[tilespmem:$0x1FAE0] =	vst v10  }
0x17a: {  	v4 =	vadd.s32 v44, v19;
	v10 =	vld.idx.msk [tilespmem:v9+s26+$0x0], $0xffff;
	[tilespmem:$0x1FAF0] =	vst v52  }
0x17b: {  	v41 =	vadd.s32 v49, v4;
	v4 =	vadd.f32 v3, v6;
	v6 =	vld.idx.msk [tilespmem:v1+s26+$0x0], $0xffff  }
0x17c: {  	v1 =	vld [tilespmem:$0x1FB20]  }
0x17d: {  	v54 =	vadd.f32 v54, v0;
	v0 =	vld [tilespmem:$0x1FB10];
	_ =	sdelay $0x1  }
0x17e: {  	v11 =	vadd.s32 v37, v16  }
0x17f: {  	v20 =	vadd.s32 v63, v11;
	v11 =	vadd.s32 v40, v16  }
0x180: {  	v13 =	vadd.s32 v56, v11;
	v11 =	vadd.s32 v43, v16  }
0x181: {  	v7 =	vadd.s32 v55, v11;
	v11 =	vadd.f32 v1, v0;
	v0 =	vld [tilespmem:$0x1FB40]  }
0x182: {  	v3 =	vadd.s32 v52, v19;
	v39 =	vld.idx.msk [tilespmem:v39+s26+$0x0], $0xffff  }
0x183: {  	v9 =	vadd.s32 v15, v3;
	[tilespmem:$0x1FB30] =	vst v36;
	v3 =	vld [tilespmem:$0x1FB70]  }
0x184: {  	v18 =	vld.idx.msk [tilespmem:v18+s26+$0x0], $0xffff;
	v1 =	vadd.s32 v36, v19  }
0x185: {  	v36 =	vld.idx.msk [tilespmem:v5+s26+$0x0], $0xffff;
	[tilespmem:$0x1FB50] =	vst v38;
	v22 =	vadd.s32 v26, v1;
	v1 =	vadd.s32 v38, v19  }
0x186: {  	v0 =	vadd.f32 v58, v0;
	v58 =	vadd.f32 v8, v51;
	v8 =	vld.idx.msk [tilespmem:v21+s26+$0x0], $0xffff;
	[tilespmem:$0x1FB60] =	vst v37  }
0x187: {  	v59 =	vadd.f32 v59, v12;
	v21 =	vadd.s32 v30, v1;
	v1 =	vadd.s32 v37, v19;
	v12 =	vld.idx.msk [tilespmem:v20+s26+$0x0], $0xffff  }
0x188: {  	v20 =	vadd.s32 v63, v1;
	v1 =	vld [tilespmem:$0x1FB80]  }
0x189: {  	v2 =	vadd.f32 v2, v50;
	v50 =	vadd.s32 v61, v16;
	v44 =	vadd.s32 v29, v16  }
0x18a: {  	v49 =	vadd.s32 v57, v16;
	v52 =	vadd.s32 v45, v16;
	v13 =	vld.idx.msk [tilespmem:v13+s26+$0x0], $0xffff;
	[tilespmem:$0x1FB90] =	vst v40  }
0x18b: {  	v60 =	vadd.f32 v60, v3;
	v3 =	vadd.f32 v14, v35;
	v14 =	vld.idx.msk [tilespmem:v7+s26+$0x0], $0xffff;
	[tilespmem:$0x1FBA0] =	vst v43  }
0x18c: {  	v51 =	vadd.s32 v53, v16;
	v7 =	vadd.s32 v43, v19;
	v43 =	vadd.s32 v33, v16;
	v15 =	vld.idx.msk [tilespmem:v23+s26+$0x0], $0xffff  }
0x18d: {  	v16 =	vld.idx.msk [tilespmem:v41+s26+$0x0], $0xffff;
	[tilespmem:$0x1FBB0] =	vst v57;
	v1 =	vadd.f32 v17, v1;
	v17 =	vadd.s32 v40, v19  }
0x18e: {  	v23 =	vadd.s32 v56, v17;
	v17 =	vld.idx.msk [tilespmem:v9+s26+$0x0], $0xffff;
	[tilespmem:$0x1FBC0] =	vst v61  }
0x18f: {  	[tilespmem:$0x1FBD0] =	vst v53  }
0x190: {  	v9 =	vadd.s32 v61, v19;
	v61 =	vadd.f32 v18, v36;
	v18 =	vld.idx.msk [tilespmem:v22+s26+$0x0], $0xffff;
	[tilespmem:$0x1FBE0] =	vst v45  }
0x191: {  	v26 =	vadd.s32 v55, v7;
	[tilespmem:$0x1FBF0] =	vst v29  }
0x192: {  	v7 =	vadd.f32 v10, v24;
	v10 =	vadd.s32 v57, v19;
	v57 =	vadd.s32 v53, v19;
	[tilespmem:$0x1FC00] =	vst v33;
	v22 =	vld [tilespmem:$0x1FC10]  }
0x193: {  	v55 =	vadd.s32 v29, v19;
	v56 =	vadd.s32 v45, v19;
	v53 =	vadd.s32 v33, v19;
	v19 =	vld.idx.msk [tilespmem:v21+s26+$0x0], $0xffff  }
0x194: {  	v21 =	vld [tilespmem:$0x1FF90];
	_ =	sdelay $0x4  }
0x195: {  	v5 =	vadd.f32 v25, v62;
	v25 =	vadd.s32 v21, v22;
	v21 =	vld [tilespmem:$0x1FFA0]  }
0x196: {  	v22 =	vld [tilespmem:$0x1FC20];
	_ =	sdelay $0x4  }
0x197: {  	v24 =	vadd.s32 v21, v22;
	v21 =	vld [tilespmem:$0x1FFB0]  }
0x198: {  	v22 =	vld [tilespmem:$0x1FC30];
	_ =	sdelay $0x3  }
0x199: {  	v29 =	vld [tilespmem:$0x1FC40]  }
0x19a: {  	v22 =	vadd.s32 v21, v22;
	v21 =	vld.idx.msk [tilespmem:v20+s26+$0x0], $0xffff  }
0x19b: {  	v20 =	vld [tilespmem:$0x1FFC0];
	_ =	sdelay $0x4  }
0x19c: {  	v20 =	vadd.s32 v20, v29;
	v29 =	vld [tilespmem:$0x1FC50];
	_ =	sdelay $0x4  }
0x19d: {  	v63 =	vadd.s32 v31, v29;
	v29 =	vld [tilespmem:$0x1FC60];
	_ =	sdelay $0x2  }
0x19e: {  	v6 =	vadd.f32 v6, v39;
	v39 =	vimm.f32 $0.0e+00;
	v26 =	vld.idx.msk [tilespmem:v26+s26+$0x0], $0xffff  }
0x19f: {  	v35 =	vimm.f32 $0.0e+00;
	v38 =	vimm.f32 $0.0e+00;
	v30 =	vimm.f32 $0.0e+00;
	v23 =	vld.idx.msk [tilespmem:v23+s26+$0x0], $0xffff  }
0x1a0: {  	s6 =	simm.s32 $0x4;
	v37 =	vimm.f32 $0.0e+00;
	v36 =	vimm.f32 $0.0e+00;
	v62 =	vadd.s32 v32, v29;
	v29 =	vld [tilespmem:$0x1FFF0]  }
.LBB2_5:
0x1a1: {  	v33 =	vld [tilespmem:$0x1FF90]  }
0x1a2: {  	v8 =	vadd.f32 v12, v8;
	v12 =	vadd.f32 v14, v13;
	v14 =	vld.idx.msk [tilespmem:v24+s29+$0x0], $0xffff  }
0x1a3: {  	v24 =	vld [tilespmem:$0x1FFA0]  }
0x1a4: {  	v25 =	vld.idx.msk [tilespmem:v25+s29+$0x0], $0xffff  }
0x1a5: {  	v0 =	vadd.f32 v0, v2;
	v2 =	vld.idx.msk [tilespmem:v20+s29+$0x0], $0xffff  }
0x1a6: {  	v20 =	vld.idx.msk [tilespmem:v63+s29+$0x0], $0xffff;
	v1 =	vadd.f32 v3, v1;
	v3 =	vadd.f32 v7, v5;
	v5 =	vadd.s32 v31, v28  }
0x1a7: {  	v4 =	vadd.f32 v11, v4;
	v7 =	vld.idx.msk [tilespmem:v62+s29+$0x0], $0xffff;
	v13 =	vadd.s32 v33, v34  }
0x1a8: {  	v15 =	vadd.f32 v16, v15;
	v16 =	vadd.f32 v18, v17;
	v18 =	vld.idx.msk [tilespmem:v22+s29+$0x0], $0xffff;
	v17 =	vadd.s32 v24, v46  }
0x1a9: {  	v19 =	vadd.f32 v21, v19;
	v21 =	vadd.f32 v26, v23;
	v23 =	vld [tilespmem:$0x1FFB0];
	v10 =	vadd.s32 v33, v10  }
0x1aa: {  	v6 =	vadd.f32 v61, v6;
	v8 =	vadd.f32 v12, v8;
	v26 =	vld [tilespmem:$0x1FFC0];
	v9 =	vadd.s32 v24, v9  }
0x1ab: {  	v0 =	vadd.f32 v0, v4;
	v4 =	vadd.s32 v33, v49;
	v5 =	vld.idx.msk [tilespmem:v5+s29+$0x0], $0xffff  }
0x1ac: {  	v6 =	vadd.f32 v8, v6;
	v8 =	vadd.s32 v24, v50;
	v13 =	vld.idx.msk [tilespmem:v13+s29+$0x0], $0xffff  }
0x1ad: {  	v1 =	vadd.f32 v3, v1;
	v0 =	vadd.f32 v54, v0;
	v3 =	vld.idx.msk [tilespmem:v17+s29+$0x0], $0xffff  }
0x1ae: {  	v12 =	vadd.f32 v16, v15;
	v15 =	vadd.f32 v21, v19;
	v22 =	vadd.s32 v23, v47;
	v10 =	vld.idx.msk [tilespmem:v10+s29+$0x0], $0xffff  }
0x1af: {  	v6 =	vadd.f32 v60, v6;
	v11 =	vadd.s32 v26, v48;
	v9 =	vld.idx.msk [tilespmem:v9+s29+$0x0], $0xffff  }
0x1b0: {  	v0 =	vmul.f32 $1.000000010e-01, v0;
	v12 =	vadd.f32 v15, v12;
	v21 =	vadd.s32 v26, v56;
	v4 =	vld.idx.msk [tilespmem:v4+s29+$0x0], $0xffff  }
0x1b1: {  	v1 =	vadd.f32 v58, v1;
	v6 =	vmul.f32 $1.000000010e-01, v6;
	v17 =	vadd.s32 v26, v52;
	v8 =	vld.idx.msk [tilespmem:v8+s29+$0x0], $0xffff  }
0x1b2: {  	v14 =	vmul.f32 v0, v14;
	v19 =	vadd.s32 v23, v57;
	v12 =	vadd.f32 v59, v12;
	v26 =	vld [tilespmem:$0x1FAE0]  }
0x1b3: {  	v2 =	vmul.f32 v2, v0;
	v16 =	vadd.s32 v23, v51;
	v23 =	vadd.s32 v31, v55;
	v15 =	vld.idx.msk [tilespmem:v22+s29+$0x0], $0xffff  }
0x1b4: {  	v24 =	vadd.s32 v32, v53;
	v20 =	vmul.f32 v20, v0;
	v12 =	vmul.f32 $1.000000010e-01, v12;
	v11 =	vld.idx.msk [tilespmem:v11+s29+$0x0], $0xffff  }
0x1b5: {  	v18 =	vmul.f32 v0, v18;
	v14 =	vadd.f32 v14, v39;
	v22 =	vmul.f32 v0, v25;
	v21 =	vld.idx.msk [tilespmem:v21+s29+$0x0], $0xffff  }
0x1b6: {  	v0 =	vmul.f32 v7, v0;
	v7 =	vld.idx.msk [tilespmem:v17+s29+$0x0], $0xffff;
	v17 =	vadd.s32 v31, v44;
	v9 =	vmul.f32 v12, v9  }
0x1b7: {  	v1 =	vmul.f32 $1.000000010e-01, v1;
	v19 =	vld.idx.msk [tilespmem:v19+s29+$0x0], $0xffff;
	v25 =	vadd.s32 v32, v43;
	v10 =	vmul.f32 v12, v10  }
0x1b8: {  	v23 =	vld.idx.msk [tilespmem:v23+s29+$0x0], $0xffff;
	v8 =	vmul.f32 v6, v8;
	v22 =	vadd.f32 v22, v38;
	v9 =	vadd.f32 v9, v14  }
0x1b9: {  	v2 =	vadd.f32 v2, v37;
	v4 =	vmul.f32 v6, v4;
	v26 =	vadd.s32 v32, v26;
	v14 =	vld.idx.msk [tilespmem:v24+s29+$0x0], $0xffff  }
0x1ba: {  	v16 =	vld.idx.msk [tilespmem:v16+s29+$0x0], $0xffff;
	v3 =	vmul.f32 v1, v3;
	v10 =	vadd.f32 v10, v22;
	v8 =	vadd.f32 v8, v9  }
0x1bb: {  	v5 =	vmul.f32 v5, v1;
	v0 =	vadd.f32 v0, v36;
	v21 =	vmul.f32 v21, v12;
	v17 =	vld.idx.msk [tilespmem:v17+s29+$0x0], $0xffff  }
0x1bc: {  	v13 =	vmul.f32 v1, v13;
	v4 =	vadd.f32 v4, v10;
	v10 =	vld.idx.msk [tilespmem:v25+s29+$0x0], $0xffff;
	v3 =	vadd.f32 v3, v8  }
0x1bd: {  	v41 =	vld [tilespmem:$0x1FAD0];
	v19 =	vmul.f32 v12, v19;
	v7 =	vmul.f32 v7, v6;
	v2 =	vadd.f32 v21, v2  }
0x1be: {  	v8 =	vmul.f32 v23, v12;
	v12 =	vmul.f32 v14, v12;
	[tilespmem:$0x1FA90] =	vst v3;
	v3 =	vld.idx.msk [tilespmem:v26+s29+$0x0], $0xffff  }
0x1bf: {  	v28 =	vld [tilespmem:$0x1FAC0];
	v11 =	vmul.f32 v11, v1;
	v4 =	vadd.f32 v13, v4;
	v2 =	vadd.f32 v7, v2  }
0x1c0: {  	v49 =	vld [tilespmem:$0x1FAF0];
	v9 =	vmul.f32 v6, v16;
	v13 =	vadd.f32 v20, v35;
	v0 =	vadd.f32 v12, v0  }
0x1c1: {  	v14 =	vmul.f32 v17, v6;
	v6 =	vmul.f32 v10, v6;
	v2 =	vadd.f32 v11, v2;
	v11 =	vld [tilespmem:$0x1FAA0]  }
0x1c2: {  	v22 =	vlaneseq.u32;
	[tilespmem:$0x1FA70] =	vst v4;
	v4 =	vadd.f32 v18, v30;
	v8 =	vadd.f32 v8, v13;
	v13 =	vld [tilespmem:$0x1FAB0]  }
0x1c3: {  	v50 =	vld [tilespmem:$0x1FB30];
	v15 =	vmul.f32 v1, v15;
	v0 =	vadd.f32 v6, v0;
	v1 =	vmul.f32 v3, v1  }
0x1c4: {  	v51 =	vld [tilespmem:$0x1FB50];
	v16 =	vadd.s32 s6, v22;
	v4 =	vadd.f32 v19, v4  }
0x1c5: {  	v19 =	vld [tilespmem:$0x1FFD0];
	v7 =	vadd.f32 v14, v8;
	v8 =	vand.u32 $0x3F, v16;
	v0 =	vadd.f32 v1, v0  }
0x1c6: {  	v56 =	vld [tilespmem:$0x1FB90];
	[tilespmem:$0x1FA80] =	vst v2;
	v2 =	vadd.s32 v11, v8  }
0x1c7: {  	v52 =	vld [tilespmem:$0x1FB60];
	v4 =	vadd.f32 v9, v4;
	v1 =	vadd.s32 v13, v8;
	[tilespmem:$0x1FA60] =	vst v0;
	v0 =	vadd.s32 v42, v2  }
0x1c8: {  	v44 =	vld [tilespmem:$0x1FFE0];
	v1 =	vadd.s32 v27, v1  }
0x1c9: {  	v24 =	vld [tilespmem:$0x1FF60];
	v3 =	vadd.f32 v15, v4;
	v4 =	vadd.s32 v49, v8  }
0x1ca: {  	v17 =	vld [tilespmem:$0x1FF40];
	v4 =	vadd.s32 v19, v4  }
0x1cb: {  	v18 =	vld [tilespmem:$0x1FF50];
	[tilespmem:$0x1F9C0] =	vst v3;
	v3 =	vadd.f32 v5, v7  }
0x1cc: {  	v2 =	vadd.s32 v28, v8;
	v0 =	vld.idx.msk [tilespmem:v0+s26+$0x0], $0xffff  }
0x1cd: {  	v2 =	vadd.s32 v29, v2;
	[tilespmem:$0x1F9F0] =	vst v3;
	v3 =	vadd.s32 v41, v8;
	v1 =	vld.idx.msk [tilespmem:v1+s26+$0x0], $0xffff  }
0x1ce: {  	v43 =	vld [tilespmem:$0x1FF70];
	v5 =	vadd.s32 v50, v8;
	v3 =	vadd.s32 v44, v3  }
0x1cf: {  	v5 =	vadd.s32 v17, v5;
	v4 =	vld.idx.msk [tilespmem:v4+s26+$0x0], $0xffff  }
0x1d0: {  	v57 =	vld [tilespmem:$0x1FBA0];
	v6 =	vadd.s32 v51, v8  }
0x1d1: {  	v55 =	vld [tilespmem:$0x1FF80];
	[tilespmem:$0x1F9D0] =	vst v0;
	v0 =	vadd.s32 v18, v6;
	v6 =	vadd.s32 v52, v8  }
0x1d2: {  	v54 =	vld.idx.msk [tilespmem:v2+s26+$0x0], $0xffff;
	v2 =	vadd.s32 v56, v8;
	[tilespmem:$0x1F9E0] =	vst v1;
	v1 =	vadd.s32 v24, v6  }
0x1d3: {  	v53 =	vld.idx.msk [tilespmem:v3+s26+$0x0], $0xffff;
	v3 =	vadd.s32 v43, v2  }
0x1d4: {  	s7 =	sadd.s32 $0x3, s6;
	[tilespmem:$0x1FA00] =	vst v4;
	v4 =	vld.idx.msk [tilespmem:v5+s26+$0x0], $0xffff  }
0x1d5: {  	v2 =	vadd.s32 v57, v8;
	v6 =	vadd.s32 s7, v22  }
0x1d6: {  	v9 =	vand.u32 $0x3F, v6;
	v6 =	vadd.s32 v55, v2;
	v0 =	vld.idx.msk [tilespmem:v0+s26+$0x0], $0xffff  }
0x1d7: {  	s10 =	sadd.s32 $0x2, s6;
	v7 =	vadd.s32 v11, v9;
	v25 =	vld.idx.msk [tilespmem:v1+s26+$0x0], $0xffff  }
0x1d8: {  	v2 =	vadd.s32 s10, v22;
	v5 =	vadd.s32 v42, v7;
	v1 =	vld.idx.msk [tilespmem:v3+s26+$0x0], $0xffff  }
0x1d9: {  	[tilespmem:$0x1FA10] =	vst v4;
	v4 =	vand.u32 $0x3F, v2;
	v2 =	vadd.s32 v13, v9  }
0x1da: {  	s11 =	sadd.s32 $0x1, s6;
	v45 =	vld [tilespmem:$0x1FBC0];
	v7 =	vadd.s32 v11, v4;
	v10 =	vadd.s32 v27, v2  }
0x1db: {  	v7 =	vadd.s32 v42, v7;
	v23 =	vld.idx.msk [tilespmem:v6+s26+$0x0], $0xffff;
	v6 =	vadd.s32 v28, v9;
	[tilespmem:$0x1FA20] =	vst v0;
	v0 =	vadd.s32 s11, v22  }
0x1dc: {  	v33 =	vld [tilespmem:$0x1FBF0];
	v14 =	vadd.s32 v29, v6;
	v2 =	vand.u32 $0x3F, v0;
	v0 =	vadd.s32 v13, v4  }
0x1dd: {  	[tilespmem:$0x1FA30] =	vst v1;
	v1 =	vadd.s32 v11, v2;
	v11 =	vadd.s32 v27, v0;
	v0 =	vld.idx.msk [tilespmem:v5+s26+$0x0], $0xffff  }
0x1de: {  	v35 =	vld [tilespmem:$0x1FC00]  }
0x1df: {  	v30 =	vld [tilespmem:$0x1FBE0]  }
0x1e0: {  	v63 =	vld.idx.msk [tilespmem:v10+s26+$0x0], $0xffff;
	v12 =	vadd.s32 v42, v1;
	v1 =	vadd.s32 v13, v2  }
0x1e1: {  	v62 =	vld.idx.msk [tilespmem:v14+s26+$0x0], $0xffff;
	v13 =	vadd.s32 v27, v1  }
0x1e2: {  	v15 =	vadd.s32 v41, v9;
	[tilespmem:$0x1FA40] =	vst v0;
	v0 =	vld.idx.msk [tilespmem:v7+s26+$0x0], $0xffff  }
0x1e3: {  	v10 =	vadd.s32 v44, v15;
	v15 =	vadd.s32 v49, v9;
	v27 =	vmov v29;
	v29 =	vld [tilespmem:$0x1FBD0]  }
0x1e4: {  	v60 =	vld.idx.msk [tilespmem:v11+s26+$0x0], $0xffff;
	v11 =	vadd.s32 v19, v15;
	v15 =	vadd.s32 v50, v9  }
0x1e5: {  	v59 =	vld.idx.msk [tilespmem:v12+s26+$0x0], $0xffff;
	v12 =	vadd.s32 v17, v15;
	v15 =	vadd.s32 v51, v9  }
0x1e6: {  	v20 =	vld.idx.msk [tilespmem:v13+s26+$0x0], $0xffff;
	v13 =	vadd.s32 v18, v15;
	v15 =	vadd.s32 v52, v9  }
0x1e7: {  	v31 =	vadd.s32 v30, v8;
	v14 =	vadd.s32 v24, v15;
	v15 =	vadd.s32 v56, v9;
	[tilespmem:$0x1FA50] =	vst v0;
	v0 =	vld [tilespmem:$0x1FBB0]  }
0x1e8: {  	v16 =	vadd.s32 v28, v4;
	v1 =	vld.idx.msk [tilespmem:v10+s26+$0x0], $0xffff;
	v10 =	vadd.s32 v43, v15;
	v15 =	vadd.s32 v57, v9  }
0x1e9: {  	v6 =	vadd.s32 v35, v8;
	v22 =	vadd.s32 v45, v8;
	v3 =	vld.idx.msk [tilespmem:v11+s26+$0x0], $0xffff;
	v11 =	vadd.s32 v55, v15  }
0x1ea: {  	v7 =	vadd.s32 v33, v8;
	v15 =	vadd.s32 v27, v16;
	v16 =	vadd.s32 v41, v4;
	v32 =	vld.idx.msk [tilespmem:v12+s26+$0x0], $0xffff  }
0x1eb: {  	v26 =	vadd.s32 v29, v8;
	v12 =	vadd.s32 v44, v16;
	v16 =	vadd.s32 v49, v4;
	v5 =	vld.idx.msk [tilespmem:v13+s26+$0x0], $0xffff  }
0x1ec: {  	v13 =	vadd.s32 v50, v4;
	v36 =	vld.idx.msk [tilespmem:v14+s26+$0x0], $0xffff;
	v21 =	vadd.s32 v0, v8;
	v8 =	vadd.s32 v19, v16  }
0x1ed: {  	v46 =	vadd.s32 v45, v9;
	v13 =	vadd.s32 v17, v13;
	v14 =	vadd.s32 v51, v4;
	v37 =	vld.idx.msk [tilespmem:v10+s26+$0x0], $0xffff  }
0x1ee: {  	v48 =	vadd.s32 v30, v9;
	v10 =	vadd.s32 v18, v14;
	v14 =	vadd.s32 v52, v4;
	v38 =	vld.idx.msk [tilespmem:v11+s26+$0x0], $0xffff  }
0x1ef: {  	v47 =	vadd.s32 v29, v9;
	v34 =	vadd.s32 v0, v9;
	v39 =	vld.idx.msk [tilespmem:v15+s26+$0x0], $0xffff;
	v11 =	vadd.s32 v24, v14  }
0x1f0: {  	v15 =	vadd.s32 v28, v2;
	v28 =	vadd.s32 v33, v9;
	v9 =	vadd.s32 v35, v9;
	v40 =	vld.idx.msk [tilespmem:v12+s26+$0x0], $0xffff  }
0x1f1: {  	v12 =	vadd.s32 v57, v4;
	[tilespmem:$0x1FAE0] =	vst v9;
	v61 =	vld.idx.msk [tilespmem:v8+s26+$0x0], $0xffff  }
0x1f2: {  	v16 =	vadd.s32 v55, v12;
	v12 =	vadd.s32 v49, v2;
	v8 =	vadd.s32 v41, v2;
	v41 =	vld.idx.msk [tilespmem:v13+s26+$0x0], $0xffff  }
0x1f3: {  	v13 =	vadd.s32 v50, v2;
	v9 =	vadd.s32 v44, v8;
	v8 =	vld.idx.msk [tilespmem:v10+s26+$0x0], $0xffff;
	v10 =	vadd.s32 v19, v12  }
0x1f4: {  	v12 =	vld.idx.msk [tilespmem:v11+s26+$0x0], $0xffff;
	v11 =	vadd.s32 v17, v13  }
0x1f5: {  	v17 =	vadd.s32 v51, v2  }
0x1f6: {  	v14 =	vadd.s32 v56, v4;
	v19 =	vadd.s32 v18, v17;
	v17 =	vadd.s32 v52, v2  }
0x1f7: {  	v14 =	vadd.s32 v43, v14;
	v24 =	vadd.s32 v24, v17;
	v17 =	vadd.s32 v56, v2  }
0x1f8: {  	v58 =	vadd.s32 v43, v17;
	v17 =	vld.idx.msk [tilespmem:v10+s26+$0x0], $0xffff  }
0x1f9: {  	v18 =	vld.idx.msk [tilespmem:v11+s26+$0x0], $0xffff  }
0x1fa: {  	v49 =	vadd.s32 v0, v4;
	v10 =	vadd.s32 v0, v2;
	v0 =	vld [tilespmem:$0x1F9D0]  }
0x1fb: {  	v50 =	vadd.s32 v45, v4;
	v11 =	vld [tilespmem:$0x1F9E0]  }
0x1fc: {  	v13 =	vld.idx.msk [tilespmem:v14+s26+$0x0], $0xffff;
	v51 =	vadd.s32 v29, v4;
	v44 =	vadd.s32 v33, v4;
	v52 =	vadd.s32 v30, v4  }
0x1fd: {  	v14 =	vld.idx.msk [tilespmem:v16+s26+$0x0], $0xffff;
	v56 =	vadd.s32 v30, v2;
	v43 =	vadd.s32 v35, v4;
	v4 =	vadd.f32 v53, v54  }
0x1fe: {  	v53 =	vadd.s32 v35, v2;
	v16 =	vld.idx.msk [tilespmem:v9+s26+$0x0], $0xffff;
	v9 =	vadd.s32 v57, v2;
	v57 =	vadd.s32 v29, v2  }
0x1ff: {  	v42 =	vadd.s32 v55, v9;
	v9 =	vadd.s32 v45, v2;
	v55 =	vadd.s32 v33, v2;
	v2 =	vld [tilespmem:$0x1FA10]  }
0x200: {  	v54 =	vadd.f32 v11, v0;
	v0 =	vld [tilespmem:$0x1FA00];
	_ =	sdelay $0x4  }
0x201: {  	v11 =	vadd.f32 v2, v0;
	v0 =	vld [tilespmem:$0x1FA20];
	_ =	sdelay $0x4  }
0x202: {  	v2 =	vadd.f32 v25, v0;
	v0 =	vld [tilespmem:$0x1FF90];
	_ =	sdelay $0x3  }
0x203: {  	v59 =	vadd.f32 v20, v59;
	v20 =	vld [tilespmem:$0x1FA50]  }
0x204: {  	v25 =	vadd.s32 v0, v21;
	v0 =	vld [tilespmem:$0x1FA30];
	_ =	sdelay $0x1  }
0x205: {  	v15 =	vadd.s32 v27, v15  }
0x206: {  	v3 =	vadd.f32 v32, v3;
	v32 =	vld [tilespmem:$0x1FF10]  }
0x207: {  	v60 =	vadd.f32 v60, v20;
	v20 =	vld [tilespmem:$0x1FFC0]  }
0x208: {  	v0 =	vadd.f32 v23, v0;
	v23 =	vld [tilespmem:$0x1FFA0]  }
0x209: {  	v5 =	vadd.f32 v36, v5;
	v36 =	vld [tilespmem:$0x1FA60]  }
0x20a: {  	v15 =	vld.idx.msk [tilespmem:v15+s26+$0x0], $0xffff  }
0x20b: {  	v1 =	vadd.f32 v1, v62;
	v62 =	vadd.s32 v32, v6;
	v6 =	vadd.f32 v40, v39;
	v39 =	vld [tilespmem:$0x1FA90]  }
0x20c: {  	v21 =	vld.idx.msk [tilespmem:v24+s26+$0x0], $0xffff  }
0x20d: {  	v24 =	vadd.s32 v23, v22;
	v22 =	vld [tilespmem:$0x1FA40]  }
0x20e: {  	v20 =	vadd.s32 v20, v31;
	v31 =	vld [tilespmem:$0x1FF00]  }
0x20f: {  	v30 =	vld [tilespmem:$0x1F9C0]  }
0x210: {  	v35 =	vld [tilespmem:$0x1F9F0]  }
0x211: {  	v23 =	vld.idx.msk [tilespmem:v58+s26+$0x0], $0xffff  }
0x212: {  	v58 =	vadd.f32 v63, v22;
	v22 =	vld [tilespmem:$0x1FFB0]  }
0x213: {  	p0 =	slt.u32 s6, $0x3C;
	v29 =	vmov v27;
	v27 =	vld [tilespmem:$0x1FF30]  }
.Ltmp1:
0x214: {  	v19 =	vld.idx.msk [tilespmem:v19+s26+$0x0], $0xffff;
	(pc) =	sbr.rel @p0 .LBB2_5-.Ltmp1, $4  }
0x215: {  	v63 =	vadd.s32 v31, v7;
	v7 =	vadd.f32 v38, v37;
	v38 =	vld [tilespmem:$0x1FA70]  }
0x216: {  	v37 =	vld [tilespmem:$0x1FA80]  }
0x217: {  	v22 =	vadd.s32 v22, v26;
	v26 =	vld.idx.msk [tilespmem:v42+s26+$0x0], $0xffff  }
0x218: {  	s6 =	sadd.s32 $0x4, s6;
	v61 =	vadd.f32 v41, v61;
	v42 =	vld [tilespmem:$0x1FF20]  }
0x219: {  	_ =	sdelay $0x3  }
0x21a: {  	v8 =	vadd.f32 v12, v8;
	v12 =	vadd.f32 v14, v13;
	v14 =	vld.idx.msk [tilespmem:v25+s29+$0x0], $0xffff  }
0x21b: {  	v25 =	vld [tilespmem:$0x1FF90]  }
0x21c: {  	v13 =	vadd.f32 v16, v15;
	v16 =	vadd.f32 v18, v17;
	v33 =	vld [tilespmem:$0x1FFA0]  }
0x21d: {  	v17 =	vadd.f32 v21, v19;
	v4 =	vadd.f32 v11, v4  }
0x21e: {  	v45 =	vld [tilespmem:$0x1FFB0];
	v0 =	vadd.f32 v0, v2;
	v1 =	vadd.f32 v3, v1  }
0x21f: {  	v41 =	vld [tilespmem:$0x1FFC0];
	v5 =	vadd.f32 v7, v5;
	v6 =	vadd.f32 v61, v6  }
0x220: {  	v18 =	vld.idx.msk [tilespmem:v24+s29+$0x0], $0xffff;
	v24 =	vadd.s32 v32, v43;
	v13 =	vadd.f32 v16, v13;
	v8 =	vadd.f32 v12, v8  }
0x221: {  	v11 =	vld.idx.msk [tilespmem:v22+s29+$0x0], $0xffff;
	v15 =	vadd.s32 v25, v34;
	v34 =	vadd.f32 v26, v23;
	v9 =	vadd.s32 v33, v9  }
0x222: {  	v2 =	vld.idx.msk [tilespmem:v20+s29+$0x0], $0xffff;
	v0 =	vadd.f32 v0, v4;
	v6 =	vadd.f32 v8, v6  }
0x223: {  	v7 =	vld.idx.msk [tilespmem:v63+s29+$0x0], $0xffff;
	v19 =	vadd.s32 v33, v46;
	v8 =	vadd.s32 v33, v50;
	v46 =	vadd.f32 v34, v17  }
0x224: {  	v0 =	vadd.f32 v54, v0;
	v40 =	vadd.s32 v45, v47;
	v3 =	vadd.s32 v41, v48;
	v17 =	vld.idx.msk [tilespmem:v62+s29+$0x0], $0xffff  }
0x225: {  	v48 =	vadd.s32 v25, v49;
	v49 =	vadd.f32 v46, v13;
	v46 =	vadd.s32 v32, v53;
	v53 =	vld.idx.msk [tilespmem:v24+s29+$0x0], $0xffff  }
0x226: {  	v10 =	vadd.s32 v25, v10;
	v9 =	vld.idx.msk [tilespmem:v9+s29+$0x0], $0xffff  }
0x227: {  	v1 =	vadd.f32 v5, v1;
	v0 =	vmul.f32 $1.000000010e-01, v0;
	v4 =	vld.idx.msk [tilespmem:v15+s29+$0x0], $0xffff;
	v5 =	vadd.f32 v59, v49  }
0x228: {  	v63 =	vadd.s32 v45, v51;
	v8 =	vld.idx.msk [tilespmem:v8+s29+$0x0], $0xffff  }
0x229: {  	v6 =	vadd.f32 v60, v6;
	v18 =	vmul.f32 v0, v18;
	v61 =	vld.idx.msk [tilespmem:v19+s29+$0x0], $0xffff;
	v5 =	vmul.f32 $1.000000010e-01, v5  }
0x22a: {  	v1 =	vadd.f32 v58, v1;
	v34 =	vadd.s32 v41, v52;
	v41 =	vadd.s32 v41, v56;
	v62 =	vld.idx.msk [tilespmem:v40+s29+$0x0], $0xffff  }
0x22b: {  	v6 =	vmul.f32 $1.000000010e-01, v6;
	v10 =	vld.idx.msk [tilespmem:v10+s29+$0x0], $0xffff;
	v18 =	vadd.f32 v18, v39;
	v9 =	vmul.f32 v5, v9  }
0x22c: {  	v47 =	vadd.s32 v31, v44;
	v1 =	vmul.f32 $1.000000010e-01, v1;
	v56 =	vlaneseq.u32;
	v12 =	vld.idx.msk [tilespmem:v48+s29+$0x0], $0xffff  }
0x22d: {  	v40 =	vadd.s32 v45, v57;
	v3 =	vld.idx.msk [tilespmem:v3+s29+$0x0], $0xffff;
	v8 =	vmul.f32 v6, v8;
	v9 =	vadd.f32 v9, v18  }
0x22e: {  	s5 =	sshll.u32 s5, $0x4;
	v14 =	vmul.f32 v0, v14;
	v11 =	vmul.f32 v0, v11;
	v45 =	vadd.s32 v31, v55;
	v16 =	vld.idx.msk [tilespmem:v63+s29+$0x0], $0xffff  }
0x22f: {  	s10 =	sor.u32 $0x400, s5;
	v2 =	vmul.f32 v2, v0;
	v7 =	vmul.f32 v7, v0;
	v8 =	vadd.f32 v8, v9;
	v9 =	vld [tilespmem:$0x1FAE0]  }
0x230: {  	v60 =	vor.u32 s10, v56;
	v14 =	vadd.f32 v14, v38;
	v48 =	vadd.s32 v31, v28;
	v21 =	vld.idx.msk [tilespmem:v41+s29+$0x0], $0xffff  }
0x231: {  	s6 =	sor.u32 $0x200, s5;
	v11 =	vadd.f32 v11, v30;
	v2 =	vadd.f32 v2, v37;
	v50 =	vld.idx.msk [tilespmem:v46+s29+$0x0], $0xffff;
	v10 =	vmul.f32 v5, v10  }
0x232: {  	v7 =	vadd.f32 v7, v35;
	v57 =	vor.u32 s5, v56;
	v59 =	vor.u32 s6, v56;
	v20 =	vld.idx.msk [tilespmem:v40+s29+$0x0], $0xffff  }
0x233: {  	v0 =	vmul.f32 v17, v0;
	v12 =	vmul.f32 v6, v12;
	v49 =	vld.idx.msk [tilespmem:v45+s29+$0x0], $0xffff;
	v10 =	vadd.f32 v10, v14  }
0x234: {  	v19 =	vld.idx.msk [tilespmem:v34+s29+$0x0], $0xffff;
	v58 =	vmul.f32 v53, v6;
	v4 =	vmul.f32 v1, v4;
	v9 =	vadd.s32 v32, v9  }
0x235: {  	v51 =	vld.idx.msk [tilespmem:v47+s29+$0x0], $0xffff;
	v13 =	vmul.f32 v1, v61;
	v15 =	vmul.f32 v1, v62;
	v10 =	vadd.f32 v12, v10  }
0x236: {  	v0 =	vadd.f32 v0, v36;
	v3 =	vmul.f32 v3, v1;
	v16 =	vmul.f32 v6, v16;
	v54 =	vld.idx.msk [tilespmem:v48+s29+$0x0], $0xffff  }
0x237: {  	v52 =	vmul.f32 v5, v20;
	v4 =	vadd.f32 v4, v10;
	v10 =	vmul.f32 v21, v5  }
0x238: {  	v55 =	vmul.f32 v49, v5;
	v8 =	vadd.f32 v13, v8;
	v5 =	vmul.f32 v50, v5  }
0x239: {  	v19 =	vmul.f32 v19, v6;
	v11 =	vadd.f32 v52, v11;
	v2 =	vadd.f32 v10, v2;
	v9 =	vld.idx.msk [tilespmem:v9+s29+$0x0], $0xffff  }
0x23a: {  	v7 =	vadd.f32 v55, v7;
	v10 =	vmul.f32 v51, v6;
	v0 =	vadd.f32 v5, v0  }
0x23b: {  	s11 =	sor.u32 $0x600, s5;
	v13 =	vmul.f32 v54, v1;
	v11 =	vadd.f32 v16, v11;
	v2 =	vadd.f32 v19, v2  }
0x23c: {  	s18 =	sadd.s32 $0x1, s18;
	s5 =	sor.u32 $0x800, s5;
	v38 =	vld [tilespmem:$0x1FF70];
	v7 =	vadd.f32 v10, v7;
	v10 =	vor.u32 s11, v56;
	v0 =	vadd.f32 v58, v0  }
0x23d: {  	p0 =	sne.s32 s18, $0x10;
	v34 =	vld [tilespmem:$0x1FF60];
	v62 =	vor.u32 s5, v56;
	v61 =	vadd.f32 v15, v11;
	v2 =	vadd.f32 v3, v2;
	[tilespmem:v57+s31+$0x0] =	vst.idx.msk $0xffff, v4  }
.Ltmp2:
0x23e: {  	v40 =	vld [tilespmem:$0x1FF80];
	v63 =	vadd.f32 v13, v7;
	[tilespmem:v57+s1+$0x0] =	vst.idx.msk $0xffff, v8;
	v1 =	vmul.f32 v9, v1;
	(pc) =	sbr.rel @p0 .LBB2_2-.Ltmp2, $4  }
0x23f: {  	v51 =	vld [tilespmem:$0x1FFE0];
	[tilespmem:v59+s1+$0x0] =	vst.idx.msk $0xffff, v61  }
0x240: {  	v61 =	vld [tilespmem:$0x1FFD0];
	[tilespmem:v60+s1+$0x0] =	vst.idx.msk $0xffff, v2;
	v0 =	vadd.f32 v1, v0  }
0x241: {  	[tilespmem:v10+s1+$0x0] =	vst.idx.msk $0xffff, v63;
	v10 =	vld [tilespmem:$0x1FF50]  }
0x242: {  	v63 =	vmov v33;
	v9 =	vld [tilespmem:$0x1FF40];
	[tilespmem:v62+s1+$0x0] =	vst.idx.msk $0xffff, v0  }
0x243: {  	s5 =	rddreg [dreg:$0x6]  }
0x244: {  	[hbm4b:s5+s2] =	stream.linear.scatter [tilespmem:s31], [sflag:$0x3], $0x200, $0x38;
	[tilespmem:$0x14C00] =	vst v63  }
0x245: {  	_ =	swait.ge [sflag:s16], $0x200  }
0x246: {  	[sflag:s16] =	ssyncset.done $0x0  }
0x247: {  	s8 =	rddreg [dreg:$0x7];
	[sflag:s16] =	ssyncadd.s32 $0xFFFFFE00  }
0x248: {  	[hbm4b:s8+s2] =	stream.linear.scatter [tilespmem:s1], [sflag:$0x3], $0x200, $0x38;
	[tilespmem:$0x14C00] =	vst v63  }
0x249: {  	_ =	swait.ge [sflag:s16], $0x200  }
0x24a: {  	[sflag:s16] =	ssyncset.done $0x0  }
0x24b: {  	s6 =	simm.s32 $0x14400;
	s9 =	rddreg [dreg:$0x8];
	[sflag:s16] =	ssyncadd.s32 $0xFFFFFE00  }
0x24c: {  	[hbm4b:s9+s2] =	stream.linear.scatter [tilespmem:s6], [sflag:$0x3], $0x200, $0x38;
	[tilespmem:$0x14C00] =	vst v63  }
0x24d: {  	_ =	swait.ge [sflag:s16], $0x200  }
0x24e: {  	[sflag:s16] =	ssyncset.done $0x0  }
0x24f: {  	s10 =	simm.s32 $0x14600;
	[sflag:s16] =	ssyncadd.s32 $0xFFFFFE00  }
0x250: {  	[hbm4b:s12+s2] =	stream.linear.scatter [tilespmem:s10], [sflag:$0x3], $0x200, $0x38;
	[tilespmem:$0x14C00] =	vst v63  }
0x251: {  	_ =	swait.ge [sflag:s16], $0x200  }
0x252: {  	[sflag:s16] =	ssyncset.done $0x0  }
0x253: {  	s11 =	simm.s32 $0x14800;
	[sflag:s16] =	ssyncadd.s32 $0xFFFFFE00  }
0x254: {  	[hbm4b:s13+s2] =	stream.linear.scatter [tilespmem:s11], [sflag:$0x3], $0x200, $0x38;
	[tilespmem:$0x14C00] =	vst v63  }
0x255: {  	s23 =	sadd.s32 $0x1, s23;
	_ =	swait.ge [sflag:s16], $0x200  }
0x256: {  	p0 =	sne.s32 s23, s15;
	[sflag:s16] =	ssyncset.done $0x0  }
.Ltmp3:
0x257: {  	s18 =	simm.s32 $0x14A00;
	[sflag:s16] =	ssyncadd.s32 $0xFFFFFE00;
	(pc) =	sbr.rel @p0 .LBB2_1-.Ltmp3, $4  }
0x258: {  	[hbm4b:s14+s2] =	stream.linear.scatter [tilespmem:s18], [sflag:$0x3], $0x200, $0x38;
	[tilespmem:$0x14C00] =	vst v63  }
0x259: {  	_ =	swait.ge [sflag:s16], $0x200  }
0x25a: {  	[sflag:s16] =	ssyncset.done $0x0  }
0x25b: {  	[sflag:s16] =	ssyncadd.s32 $0xFFFFFE00  }
0x25c: {  	_ =	sfence.sel $0x180000  }
0x25d: {  	[bflag:$0x0] =	sbarrier.arrive $0xFFFF  }
0x25e: {  	_ =	strace $0x90000047  }
0x25f: {  	s0 =	stileid.u32;
	[bflag:$0x2] =	sbarrier.arrive $0xFFFF  }
0x260: {  	p0 =	sne.s32 s0, $0x0;
	s0 =	rddreg [dreg:$0x1]  }
0x261: {  	s0 =	sadd.s32 @!p0 $0x100000, s0  }
0x262: {  	[sflag:s0] =	ssyncadd.tile.s32 @!p0 $0x1;
	_ =	shalt  }
.Lfunc_end2:
_tile_overlayer_lowered:
.L_overlay_start_2:
0x263: {  	(tag) =	ssettag $0x2  }
0x264: {  	s0 =	rddreg [dreg:$0x0];
	s2 =	stileid.u32  }
0x265: {  	s1 =	rddreg [dreg:$0x1];
	p0 =	sne.s32 s2, $0x0  }
0x266: {  	s3 =	rddreg [dreg:$0x2];
	[bflag:$0x3] =	sbarrier.arrive $0xFFFF;
	s2 =	simm.s32 @!p0 $0x1C03  }
0x267: {  	[timem:s3], [sflag:s2] =	dma.local @!p0 [hbm:s0], s1  }
0x268: {  	s0 =	simm.s32 @!p0 $0x3  }
0x269: {  	_ =	swait.ge @!p0 [sflag:s0], s1  }
0x26a: {  	s1 =	ssub.s32 @!p0 $0x0, s1;
	[sflag:s0] =	ssyncset.done @!p0 $0x0  }
0x26b: {  	[sflag:s0] =	ssyncadd.s32 @!p0 s1  }
0x26c: {  	[bflag:$0x3] =	sbarrier.arrive $0xFFFF  }
0x26d: {  	_ =	shalt  }

</sc_bundles>
